<compile_context>
chip_gen: v7x
topology: tpu7x:2x2x1
jax: 0.10.2.dev20260603
libtpu: 0.0.44.dev20260713+nightly
codegen_flags: <defaults>
</compile_context>

<pallas_src>
import functools

import jax
import jax.numpy as jnp
from jax import lax
from jax.experimental import pallas as pl
from jax.experimental.pallas import tpu as pltpu
from jax.experimental.pallas import tpu_sc as plsc

N = 10000
E = 320000
DF = 128
DE = 16
OC = 32

NC = 2
NS = 16
NW = NC * NS
L = 16

E_PER_W = E // NW
G2 = 40
C2 = 200
NG2 = C2 // G2
K2C = E_PER_W // C2

PAIRS = OC // 2
E2 = E // 2
CJ = 1600
K4C = E2 // CJ

B3 = 6400
G3 = E // B3


def _k1_body(x_ref, w_ref, pd_ref, ps_ref):
    p = jnp.dot(x_ref[...], w_ref[...], preferred_element_type=jnp.float32)
    pd_ref[...] = p[:, :OC]
    ps_ref[...] = p[:, OC:]


def _k1(x, w_ds):
    return pl.pallas_call(
        _k1_body,
        out_shape=(
            jax.ShapeDtypeStruct((N, OC), jnp.float32),
            jax.ShapeDtypeStruct((N, OC), jnp.float32),
        ),
    )(x, w_ds)


def _k2_body(pd_hbm, ps_hbm, src_hbm, dst_hbm, out_hbm,
             idxs0, idxs1, idxd0, idxd1, rd0, rd1, rs0, rs1,
             semi0, semi1, semg0, semg1):
    wid = lax.axis_index("s") * NC + lax.axis_index("c")
    ebase = wid * E_PER_W
    idxs = (idxs0, idxs1)
    idxd = (idxd0, idxd1)
    rd = (rd0, rd1)
    rs = (rs0, rs1)
    semi = (semi0, semi1)
    semg = (semg0, semg1)

    def issue_idx(j, b):
        base = ebase + j * C2
        pltpu.async_copy(src_hbm.at[pl.ds(base, C2)], idxs[b], semi[b])
        pltpu.async_copy(dst_hbm.at[pl.ds(base, C2)], idxd[b], semi[b])

    def wait_idx(b):
        pltpu.make_async_copy(src_hbm.at[pl.ds(0, C2)], idxs[b], semi[b]).wait()
        pltpu.make_async_copy(dst_hbm.at[pl.ds(0, C2)], idxd[b], semi[b]).wait()

    def issue_gathers(b):
        for g in range(NG2):
            sl = pl.ds(g * G2, G2)
            pltpu.async_copy(pd_hbm.at[idxd[b].at[sl]], rd[b].at[sl], semg[b])
            pltpu.async_copy(ps_hbm.at[idxs[b].at[sl]], rs[b].at[sl], semg[b])

    def wait_gathers(b):
        pltpu.make_async_copy(pd_hbm.at[pl.ds(0, C2)], rd[b], semg[b]).wait()
        pltpu.make_async_copy(ps_hbm.at[pl.ds(0, C2)], rs[b], semg[b]).wait()

    def process(jj, b):
        wait_gathers(b)

        @pl.when(jj + 1 < K2C)
        def _advance():
            wait_idx(1 - b)
            issue_gathers(1 - b)

        @pl.when(jj + 2 < K2C)
        def _prefetch():
            issue_idx(jj + 2, b)

        @plsc.parallel_loop(0, C2, unroll=4)
        def _row(r):
            rd[b][r, pl.ds(0, L)] = rd[b][r, pl.ds(0, L)] + rs[b][r, pl.ds(0, L)]
            rd[b][r, pl.ds(L, L)] = rd[b][r, pl.ds(L, L)] + rs[b][r, pl.ds(L, L)]
        pltpu.sync_copy(rd[b], out_hbm.at[pl.ds(ebase + jj * C2, C2)])

    issue_idx(0, 0)
    wait_idx(0)
    issue_gathers(0)
    issue_idx(1, 1)

    def pair(jp, c):
        process(2 * jp, 0)
        process(2 * jp + 1, 1)
        return c

    lax.fori_loop(0, K2C // 2, pair, 0)


@functools.partial(
    pl.kernel,
    mesh=plsc.VectorSubcoreMesh(core_axis_name="c", subcore_axis_name="s"),
    out_type=jax.ShapeDtypeStruct((E, OC), jnp.float32),
    scratch_types=[
        pltpu.VMEM((C2,), jnp.int32),
        pltpu.VMEM((C2,), jnp.int32),
        pltpu.VMEM((C2,), jnp.int32),
        pltpu.VMEM((C2,), jnp.int32),
        pltpu.VMEM((C2, OC), jnp.float32),
        pltpu.VMEM((C2, OC), jnp.float32),
        pltpu.VMEM((C2, OC), jnp.float32),
        pltpu.VMEM((C2, OC), jnp.float32),
        pltpu.SemaphoreType.DMA,
        pltpu.SemaphoreType.DMA,
        pltpu.SemaphoreType.DMA,
        pltpu.SemaphoreType.DMA,
    ],
    compiler_params=pltpu.CompilerParams(use_tc_tiling_on_sc=False, needs_layout_passes=False),
)
def _k2(pd_hbm, ps_hbm, src_hbm, dst_hbm, out_hbm,
        idxs0, idxs1, idxd0, idxd1, rd0, rd1, rs0, rs1,
        semi0, semi1, semg0, semg1):
    _k2_body(pd_hbm, ps_hbm, src_hbm, dst_hbm, out_hbm,
             idxs0, idxs1, idxd0, idxd1, rd0, rd1, rs0, rs1,
             semi0, semi1, semg0, semg1)


def _k3_body(zp_ref, ea_ref, w1e_ref, b1_ref, w2t_ref, htp_ref):
    pe = jnp.dot(ea_ref[...], w1e_ref[...], preferred_element_type=jnp.float32)
    a = jnp.maximum(zp_ref[...] + pe + b1_ref[...], 0.0)
    ht = lax.dot_general(
        w2t_ref[...], a, (((1,), (1,)), ((), ())),
        preferred_element_type=jnp.float32)
    hbf = ht.astype(jnp.bfloat16)
    lo = lax.bitcast_convert_type(hbf[:PAIRS, :], jnp.uint16).astype(jnp.uint32)
    hi = lax.bitcast_convert_type(hbf[PAIRS:, :], jnp.uint16).astype(jnp.uint32)
    htp_ref[...] = lax.bitcast_convert_type((hi << 16) | lo, jnp.int32)


def _k3(zp, ea, w1e, b1_2d, w2t):
    return pl.pallas_call(
        _k3_body,
        grid=(G3,),
        in_specs=[
            pl.BlockSpec((B3, OC), lambda i: (i, 0)),
            pl.BlockSpec((B3, DE), lambda i: (i, 0)),
            pl.BlockSpec((DE, OC), lambda i: (0, 0)),
            pl.BlockSpec((1, OC), lambda i: (0, 0)),
            pl.BlockSpec((OC, OC), lambda i: (0, 0)),
        ],
        out_specs=pl.BlockSpec((PAIRS, B3), lambda i: (0, i)),
        out_shape=jax.ShapeDtypeStruct((PAIRS, E), jnp.int32),
    )(zp, ea, w1e, b1_2d, w2t)


SPREAD = 8
ACC8 = SPREAD * N


def _k4_body(htp_hbm, dst_hbm, out_hbm, idx0, idx1, val0, val1, acc_v, sem0, sem1):
    wid = lax.axis_index("s") * NC + lax.axis_index("c")
    cpair = wid & (PAIRS - 1)
    ebase = (wid >> 4) * E2
    idxb = (idx0, idx1)
    valb = (val0, val1)
    sems = (sem0, sem1)
    lanes = lax.iota(jnp.int32, L)
    lane_off = (lanes & (SPREAD - 1)) * N
    neg_inf2 = jnp.full((L,), -8323200, dtype=jnp.int32)
    zeros = jnp.zeros((L,), jnp.float32)

    def bf(x):
        return plsc.bitcast(x, jnp.bfloat16)

    def ini(i, c):
        acc_v[pl.ds(i * L, L)] = neg_inf2
        return c

    lax.fori_loop(0, ACC8 // L, ini, 0)

    def issue(j, b):
        pltpu.async_copy(dst_hbm.at[pl.ds(ebase + j * CJ, CJ)], idxb[b], sems[b])
        pltpu.async_copy(htp_hbm.at[cpair, pl.ds(ebase + j * CJ, CJ)], valb[b], sems[b])

    def waitc(b):
        pltpu.make_async_copy(dst_hbm.at[pl.ds(0, CJ)], idxb[b], sems[b]).wait()
        pltpu.make_async_copy(dst_hbm.at[pl.ds(0, CJ)], valb[b], sems[b]).wait()

    def process(jj, b):
        @pl.when(jj + 1 < K4C)
        def _prefetch():
            issue(jj + 1, 1 - b)

        waitc(b)
        idx_v = idxb[b]
        val_v = valb[b]

        @plsc.parallel_loop(0, CJ // L, unroll=8)
        def _bulk(v):
            idx = idx_v[pl.ds(v * L, L)]
            val = val_v[pl.ds(v * L, L)]
            idx8 = idx + lane_off
            cur = plsc.load_gather(acc_v, [idx8])
            new = plsc.bitcast(jnp.maximum(bf(cur), bf(val)), jnp.int32)
            plsc.store_scatter(acc_v, [idx8], new)

        def wbody(go):
            @plsc.parallel_loop(0, CJ // L, unroll=8, carry=zeros)
            def bad(v, acc_bad):
                idx = idx_v[pl.ds(v * L, L)]
                val = val_v[pl.ds(v * L, L)]
                idx8 = idx + lane_off
                chk = plsc.load_gather(acc_v, [idx8])
                new = plsc.bitcast(jnp.maximum(bf(chk), bf(val)), jnp.int32)
                m = new != chk
                plsc.store_scatter(acc_v, [idx8], new, mask=m)
                return jnp.maximum(acc_bad, jnp.where(m, 1.0, 0.0))

            return jnp.max(bad) > 0.0

        lax.while_loop(lambda go: go, wbody, jnp.bool_(True))

    issue(0, 0)

    def pair(jp, c):
        process(2 * jp, 0)
        process(2 * jp + 1, 1)
        return c

    lax.fori_loop(0, K4C // 2, pair, 0)

    def merge(i, c):
        b0 = bf(acc_v[pl.ds(i * L, L)])
        for b in range(1, SPREAD):
            b0 = jnp.maximum(b0, bf(acc_v[pl.ds(b * N + i * L, L)]))
        acc_v[pl.ds(i * L, L)] = plsc.bitcast(b0, jnp.int32)
        return c

    lax.fori_loop(0, N // L, merge, 0)
    pltpu.sync_copy(acc_v.at[pl.ds(0, N)], out_hbm.at[wid])


@functools.partial(
    pl.kernel,
    mesh=plsc.VectorSubcoreMesh(core_axis_name="c", subcore_axis_name="s"),
    out_type=jax.ShapeDtypeStruct((NW, N), jnp.int32),
    scratch_types=[
        pltpu.VMEM((CJ,), jnp.int32),
        pltpu.VMEM((CJ,), jnp.int32),
        pltpu.VMEM((CJ,), jnp.int32),
        pltpu.VMEM((CJ,), jnp.int32),
        pltpu.VMEM((ACC8,), jnp.int32),
        pltpu.SemaphoreType.DMA,
        pltpu.SemaphoreType.DMA,
    ],
    compiler_params=pltpu.CompilerParams(use_tc_tiling_on_sc=False, needs_layout_passes=False),
)
def _k4(htp_hbm, dst_hbm, out_hbm, idx0, idx1, val0, val1, acc_v, sem0, sem1):
    _k4_body(htp_hbm, dst_hbm, out_hbm, idx0, idx1, val0, val1, acc_v, sem0, sem1)


def kernel(x, edge_index, edge_attr, W1, b1, W2, b2):
    src = edge_index[0]
    dst = edge_index[1]
    w_ds = jnp.concatenate([W1[:DF], W1[DF:2 * DF]], axis=1)
    w1e = W1[2 * DF:]

    pd, ps = _k1(x, w_ds)
    zp = _k2(pd, ps, src, dst)
    htp = _k3(zp, edge_attr, w1e, b1.reshape(1, OC), W2.T)
    accp = _k4(htp, dst)
    bfp = lax.bitcast_convert_type(
        lax.bitcast_convert_type(accp, jnp.uint16), jnp.bfloat16)
    m = jnp.maximum(bfp[:PAIRS], bfp[PAIRS:])
    acc = jnp.concatenate([m[:, :, 0], m[:, :, 1]], axis=0).T
    accf = acc.astype(jnp.float32)
    return jnp.where(jnp.isfinite(accf), accf + b2[None, :], 0.0)

# --- scband reference (transcript-rebuilt; emitter-appended) ---
"""Pipeline reference for scband-a2-c-65455301591869 (READ-ONLY COPY).

The authoritative reference and input builder live on the scoring server;
editing this copy changes nothing except your own understanding.
"""

import jax, jax.numpy as jnp
import numpy as np

N = 10000
E = 320000
D_FEAT = 128
D_EDGE = 16
IN_CH = 2 * D_FEAT + D_EDGE  # 272, matches cat([x_i, x_j, edge_attr])
OUT_CH = 32


def setup_inputs(seed: int = 0) -> dict:
    key = jax.random.key(seed)
    k_x, k_ei, k_ea, k_w1, k_b1, k_w2, k_b2 = jax.random.split(key, 7)
    x = jax.random.normal(k_x, (N, D_FEAT), dtype=jnp.float32)
    edge_index = jax.random.randint(k_ei, (2, E), 0, N, dtype=jnp.int32)
    edge_attr = jax.random.normal(k_ea, (E, D_EDGE), dtype=jnp.float32)
    # MLP params: Linear(IN_CH, OUT_CH) -> ReLU -> Linear(OUT_CH, OUT_CH)
    W1 = jax.random.normal(k_w1, (IN_CH, OUT_CH), dtype=jnp.float32) * (1.0 / np.sqrt(IN_CH))
    b1 = jax.random.normal(k_b1, (OUT_CH,), dtype=jnp.float32) * 0.01
    W2 = jax.random.normal(k_w2, (OUT_CH, OUT_CH), dtype=jnp.float32) * (1.0 / np.sqrt(OUT_CH))
    b2 = jax.random.normal(k_b2, (OUT_CH,), dtype=jnp.float32) * 0.01
    return {"x": x, "edge_index": edge_index, "edge_attr": edge_attr,
            "W1": W1, "b1": b1, "W2": W2, "b2": b2}


def reference(x, edge_index, edge_attr, W1, b1, W2, b2):
    # PyG MessagePassing default flow source_to_target:
    #   edge_index[0] = source (j), edge_index[1] = target (i)
    src = edge_index[0]
    dst = edge_index[1]
    x_j = jnp.take(x, src, axis=0)   # gather source node feats [E, D_FEAT]
    x_i = jnp.take(x, dst, axis=0)   # gather target node feats [E, D_FEAT]
    tmp = jnp.concatenate([x_i, x_j, edge_attr], axis=1)  # [E, 272]
    h = jnp.maximum(tmp @ W1 + b1, 0.0) @ W2 + b2         # edge MLP [E, OUT_CH]
    # aggr='max': scatter-max messages into destination nodes
    out = jax.ops.segment_max(h, dst, num_segments=N)
    # PyG fills nodes with no incoming edges with 0; segment_max yields -inf
    out = jnp.where(jnp.isfinite(out), out, 0.0)
    return out

if __name__ == "__main__":
    import jax
    _d = setup_inputs()
    print(jax.jit(kernel)(*tuple(_d.values())))

</pallas_src>

<mosaic_0001>
#map = affine_map<(d0, d1) -> (0, 0)>
#map1 = affine_map<(d0, d1) -> (0)>
module attributes {stable_mosaic.version = 14 : i64} {
  func.func @_k2(%arg0: i32, %arg1: i32, %arg2: memref<10000x32xf32, #tpu.memory_space<hbm>>, %arg3: memref<10000x32xf32, #tpu.memory_space<hbm>>, %arg4: memref<320000xi32, #tpu.memory_space<hbm>>, %arg5: memref<320000xi32, #tpu.memory_space<hbm>>, %arg6: memref<320000x32xf32, #tpu.memory_space<hbm>>, %arg7: memref<200xi32, #tpu.memory_space<vmem>>, %arg8: memref<200xi32, #tpu.memory_space<vmem>>, %arg9: memref<200xi32, #tpu.memory_space<vmem>>, %arg10: memref<200xi32, #tpu.memory_space<vmem>>, %arg11: memref<200x32xf32, #tpu.memory_space<vmem>>, %arg12: memref<200x32xf32, #tpu.memory_space<vmem>>, %arg13: memref<200x32xf32, #tpu.memory_space<vmem>>, %arg14: memref<200x32xf32, #tpu.memory_space<vmem>>, %arg15: memref<!tpu.dma_semaphore, #tpu.memory_space<semaphore_mem>>, %arg16: memref<!tpu.dma_semaphore, #tpu.memory_space<semaphore_mem>>, %arg17: memref<!tpu.dma_semaphore, #tpu.memory_space<semaphore_mem>>, %arg18: memref<!tpu.dma_semaphore, #tpu.memory_space<semaphore_mem>>) attributes {dimension_semantics = [#tpu.dimension_semantics<core_parallel>, #tpu.dimension_semantics<subcore_parallel>], iteration_bounds = array<i64: 2, 16>, scalar_prefetch = 0 : i64, scratch_operands = 12 : i64, tpu.core_type = #tpu.core_type<sc_vector_subcore>, window_params = [{transform_indices = #map}, {transform_indices = #map}, {transform_indices = #map1}, {transform_indices = #map1}, {transform_indices = #map}]} {
    %mul3A = arith.constant 2 : i32
    %mul3A_0 = arith.muli %arg1, %mul3A : i32
    %add3A = arith.addi %mul3A_0, %arg0 : i32
    %mul3A_1 = arith.constant 10000 : i32
    %mul3A_2 = arith.muli %add3A, %mul3A_1 : i32
    %add3A_3 = arith.constant 0 : i32
    %add3A_4 = arith.addi %mul3A_2, %add3A_3 : i32
    %dma_start3A = tpu.memref_slice %arg4[%add3A_4] : memref<320000xi32, #tpu.memory_space<hbm>> -> memref<200xi32, #tpu.memory_space<hbm>>
    %dma_start3A_5 = tpu.memref_slice %arg4[%add3A_4] : memref<320000xi32, #tpu.memory_space<hbm>> -> memref<200xi32, #tpu.memory_space<hbm>>
    tpu.enqueue_dma source(%dma_start3A_5 : memref<200xi32, #tpu.memory_space<hbm>>) target(%arg7 : memref<200xi32, #tpu.memory_space<vmem>>) target_semaphore(%arg15 : memref<!tpu.dma_semaphore, #tpu.memory_space<semaphore_mem>>)
    %dma_start3A_6 = tpu.memref_slice %arg5[%add3A_4] : memref<320000xi32, #tpu.memory_space<hbm>> -> memref<200xi32, #tpu.memory_space<hbm>>
    %dma_start3A_7 = tpu.memref_slice %arg5[%add3A_4] : memref<320000xi32, #tpu.memory_space<hbm>> -> memref<200xi32, #tpu.memory_space<hbm>>
    tpu.enqueue_dma source(%dma_start3A_7 : memref<200xi32, #tpu.memory_space<hbm>>) target(%arg9 : memref<200xi32, #tpu.memory_space<vmem>>) target_semaphore(%arg15 : memref<!tpu.dma_semaphore, #tpu.memory_space<semaphore_mem>>)
    %dma_wait3A = arith.constant 0 : i32
    %dma_wait3A_8 = tpu.memref_slice %arg4[%dma_wait3A] : memref<320000xi32, #tpu.memory_space<hbm>> -> memref<200xi32, #tpu.memory_space<hbm>>
    %dma_wait3A_9 = arith.constant 0 : i32
    %dma_wait3A_10 = tpu.memref_slice %arg4[%dma_wait3A_9] : memref<320000xi32, #tpu.memory_space<hbm>> -> memref<200xi32, #tpu.memory_space<hbm>>
    tpu.wait_dma2 semaphore(%arg15 : memref<!tpu.dma_semaphore, #tpu.memory_space<semaphore_mem>>) src(%dma_wait3A_10 : memref<200xi32, #tpu.memory_space<hbm>>) dst(%arg7 : memref<200xi32, #tpu.memory_space<vmem>>)
    %dma_wait3A_11 = arith.constant 0 : i32
    %dma_wait3A_12 = tpu.memref_slice %arg5[%dma_wait3A_11] : memref<320000xi32, #tpu.memory_space<hbm>> -> memref<200xi32, #tpu.memory_space<hbm>>
    %dma_wait3A_13 = arith.constant 0 : i32
    %dma_wait3A_14 = tpu.memref_slice %arg5[%dma_wait3A_13] : memref<320000xi32, #tpu.memory_space<hbm>> -> memref<200xi32, #tpu.memory_space<hbm>>
    tpu.wait_dma2 semaphore(%arg15 : memref<!tpu.dma_semaphore, #tpu.memory_space<semaphore_mem>>) src(%dma_wait3A_14 : memref<200xi32, #tpu.memory_space<hbm>>) dst(%arg9 : memref<200xi32, #tpu.memory_space<vmem>>)
    %dma_start3A_15 = arith.constant 0 : i32
    %dma_start3A_16 = arith.constant 0 : i32
    %dma_start3A_17 = tpu.memref_slice %arg11[%dma_start3A_15, %dma_start3A_16] : memref<200x32xf32, #tpu.memory_space<vmem>> -> memref<40x32xf32, #tpu.memory_space<vmem>>
    %dma_start3A_18 = arith.constant 0 : i32
    %dma_start3A_19 = tpu.memref_slice %arg9[%dma_start3A_18] : memref<200xi32, #tpu.memory_space<vmem>> -> memref<40xi32, #tpu.memory_space<vmem>>
    %dma_start3A_20 = arith.constant 0 : i32
    %dma_start3A_21 = arith.constant 0 : i32
    %dma_start3A_22 = tpu.memref_slice %arg2[%dma_start3A_20, %dma_start3A_21] : memref<10000x32xf32, #tpu.memory_space<hbm>> -> memref<10000x32xf32, #tpu.memory_space<hbm>>
    tpu.enqueue_indirect_dma source(%dma_start3A_22 : memref<10000x32xf32, #tpu.memory_space<hbm>>) target(%dma_start3A_17 : memref<40x32xf32, #tpu.memory_space<vmem>>) offsets(%dma_start3A_19 : memref<40xi32, #tpu.memory_space<vmem>>) semaphore(%arg17 : memref<!tpu.dma_semaphore, #tpu.memory_space<semaphore_mem>>)
    %dma_start3A_23 = arith.constant 0 : i32
    %dma_start3A_24 = arith.constant 0 : i32
    %dma_start3A_25 = tpu.memref_slice %arg13[%dma_start3A_23, %dma_start3A_24] : memref<200x32xf32, #tpu.memory_space<vmem>> -> memref<40x32xf32, #tpu.memory_space<vmem>>
    %dma_start3A_26 = arith.constant 0 : i32
    %dma_start3A_27 = tpu.memref_slice %arg7[%dma_start3A_26] : memref<200xi32, #tpu.memory_space<vmem>> -> memref<40xi32, #tpu.memory_space<vmem>>
    %dma_start3A_28 = arith.constant 0 : i32
    %dma_start3A_29 = arith.constant 0 : i32
    %dma_start3A_30 = tpu.memref_slice %arg3[%dma_start3A_28, %dma_start3A_29] : memref<10000x32xf32, #tpu.memory_space<hbm>> -> memref<10000x32xf32, #tpu.memory_space<hbm>>
    tpu.enqueue_indirect_dma source(%dma_start3A_30 : memref<10000x32xf32, #tpu.memory_space<hbm>>) target(%dma_start3A_25 : memref<40x32xf32, #tpu.memory_space<vmem>>) offsets(%dma_start3A_27 : memref<40xi32, #tpu.memory_space<vmem>>) semaphore(%arg17 : memref<!tpu.dma_semaphore, #tpu.memory_space<semaphore_mem>>)
    %dma_start3A_31 = arith.constant 40 : i32
    %dma_start3A_32 = arith.constant 0 : i32
    %dma_start3A_33 = tpu.memref_slice %arg11[%dma_start3A_31, %dma_start3A_32] : memref<200x32xf32, #tpu.memory_space<vmem>> -> memref<40x32xf32, #tpu.memory_space<vmem>>
    %dma_start3A_34 = arith.constant 40 : i32
    %dma_start3A_35 = tpu.memref_slice %arg9[%dma_start3A_34] : memref<200xi32, #tpu.memory_space<vmem>> -> memref<40xi32, #tpu.memory_space<vmem>>
    %dma_start3A_36 = arith.constant 0 : i32
    %dma_start3A_37 = arith.constant 0 : i32
    %dma_start3A_38 = tpu.memref_slice %arg2[%dma_start3A_36, %dma_start3A_37] : memref<10000x32xf32, #tpu.memory_space<hbm>> -> memref<10000x32xf32, #tpu.memory_space<hbm>>
    tpu.enqueue_indirect_dma source(%dma_start3A_38 : memref<10000x32xf32, #tpu.memory_space<hbm>>) target(%dma_start3A_33 : memref<40x32xf32, #tpu.memory_space<vmem>>) offsets(%dma_start3A_35 : memref<40xi32, #tpu.memory_space<vmem>>) semaphore(%arg17 : memref<!tpu.dma_semaphore, #tpu.memory_space<semaphore_mem>>)
    %dma_start3A_39 = arith.constant 40 : i32
    %dma_start3A_40 = arith.constant 0 : i32
    %dma_start3A_41 = tpu.memref_slice %arg13[%dma_start3A_39, %dma_start3A_40] : memref<200x32xf32, #tpu.memory_space<vmem>> -> memref<40x32xf32, #tpu.memory_space<vmem>>
    %dma_start3A_42 = arith.constant 40 : i32
    %dma_start3A_43 = tpu.memref_slice %arg7[%dma_start3A_42] : memref<200xi32, #tpu.memory_space<vmem>> -> memref<40xi32, #tpu.memory_space<vmem>>
    %dma_start3A_44 = arith.constant 0 : i32
    %dma_start3A_45 = arith.constant 0 : i32
    %dma_start3A_46 = tpu.memref_slice %arg3[%dma_start3A_44, %dma_start3A_45] : memref<10000x32xf32, #tpu.memory_space<hbm>> -> memref<10000x32xf32, #tpu.memory_space<hbm>>
    tpu.enqueue_indirect_dma source(%dma_start3A_46 : memref<10000x32xf32, #tpu.memory_space<hbm>>) target(%dma_start3A_41 : memref<40x32xf32, #tpu.memory_space<vmem>>) offsets(%dma_start3A_43 : memref<40xi32, #tpu.memory_space<vmem>>) semaphore(%arg17 : memref<!tpu.dma_semaphore, #tpu.memory_space<semaphore_mem>>)
    %dma_start3A_47 = arith.constant 80 : i32
    %dma_start3A_48 = arith.constant 0 : i32
    %dma_start3A_49 = tpu.memref_slice %arg11[%dma_start3A_47, %dma_start3A_48] : memref<200x32xf32, #tpu.memory_space<vmem>> -> memref<40x32xf32, #tpu.memory_space<vmem>>
    %dma_start3A_50 = arith.constant 80 : i32
    %dma_start3A_51 = tpu.memref_slice %arg9[%dma_start3A_50] : memref<200xi32, #tpu.memory_space<vmem>> -> memref<40xi32, #tpu.memory_space<vmem>>
    %dma_start3A_52 = arith.constant 0 : i32
    %dma_start3A_53 = arith.constant 0 : i32
    %dma_start3A_54 = tpu.memref_slice %arg2[%dma_start3A_52, %dma_start3A_53] : memref<10000x32xf32, #tpu.memory_space<hbm>> -> memref<10000x32xf32, #tpu.memory_space<hbm>>
    tpu.enqueue_indirect_dma source(%dma_start3A_54 : memref<10000x32xf32, #tpu.memory_space<hbm>>) target(%dma_start3A_49 : memref<40x32xf32, #tpu.memory_space<vmem>>) offsets(%dma_start3A_51 : memref<40xi32, #tpu.memory_space<vmem>>) semaphore(%arg17 : memref<!tpu.dma_semaphore, #tpu.memory_space<semaphore_mem>>)
    %dma_start3A_55 = arith.constant 80 : i32
    %dma_start3A_56 = arith.constant 0 : i32
    %dma_start3A_57 = tpu.memref_slice %arg13[%dma_start3A_55, %dma_start3A_56] : memref<200x32xf32, #tpu.memory_space<vmem>> -> memref<40x32xf32, #tpu.memory_space<vmem>>
    %dma_start3A_58 = arith.constant 80 : i32
    %dma_start3A_59 = tpu.memref_slice %arg7[%dma_start3A_58] : memref<200xi32, #tpu.memory_space<vmem>> -> memref<40xi32, #tpu.memory_space<vmem>>
    %dma_start3A_60 = arith.constant 0 : i32
    %dma_start3A_61 = arith.constant 0 : i32
    %dma_start3A_62 = tpu.memref_slice %arg3[%dma_start3A_60, %dma_start3A_61] : memref<10000x32xf32, #tpu.memory_space<hbm>> -> memref<10000x32xf32, #tpu.memory_space<hbm>>
    tpu.enqueue_indirect_dma source(%dma_start3A_62 : memref<10000x32xf32, #tpu.memory_space<hbm>>) target(%dma_start3A_57 : memref<40x32xf32, #tpu.memory_space<vmem>>) offsets(%dma_start3A_59 : memref<40xi32, #tpu.memory_space<vmem>>) semaphore(%arg17 : memref<!tpu.dma_semaphore, #tpu.memory_space<semaphore_mem>>)
    %dma_start3A_63 = arith.constant 120 : i32
    %dma_start3A_64 = arith.constant 0 : i32
    %dma_start3A_65 = tpu.memref_slice %arg11[%dma_start3A_63, %dma_start3A_64] : memref<200x32xf32, #tpu.memory_space<vmem>> -> memref<40x32xf32, #tpu.memory_space<vmem>>
    %dma_start3A_66 = arith.constant 120 : i32
    %dma_start3A_67 = tpu.memref_slice %arg9[%dma_start3A_66] : memref<200xi32, #tpu.memory_space<vmem>> -> memref<40xi32, #tpu.memory_space<vmem>>
    %dma_start3A_68 = arith.constant 0 : i32
    %dma_start3A_69 = arith.constant 0 : i32
    %dma_start3A_70 = tpu.memref_slice %arg2[%dma_start3A_68, %dma_start3A_69] : memref<10000x32xf32, #tpu.memory_space<hbm>> -> memref<10000x32xf32, #tpu.memory_space<hbm>>
    tpu.enqueue_indirect_dma source(%dma_start3A_70 : memref<10000x32xf32, #tpu.memory_space<hbm>>) target(%dma_start3A_65 : memref<40x32xf32, #tpu.memory_space<vmem>>) offsets(%dma_start3A_67 : memref<40xi32, #tpu.memory_space<vmem>>) semaphore(%arg17 : memref<!tpu.dma_semaphore, #tpu.memory_space<semaphore_mem>>)
    %dma_start3A_71 = arith.constant 120 : i32
    %dma_start3A_72 = arith.constant 0 : i32
    %dma_start3A_73 = tpu.memref_slice %arg13[%dma_start3A_71, %dma_start3A_72] : memref<200x32xf32, #tpu.memory_space<vmem>> -> memref<40x32xf32, #tpu.memory_space<vmem>>
    %dma_start3A_74 = arith.constant 120 : i32
    %dma_start3A_75 = tpu.memref_slice %arg7[%dma_start3A_74] : memref<200xi32, #tpu.memory_space<vmem>> -> memref<40xi32, #tpu.memory_space<vmem>>
    %dma_start3A_76 = arith.constant 0 : i32
    %dma_start3A_77 = arith.constant 0 : i32
    %dma_start3A_78 = tpu.memref_slice %arg3[%dma_start3A_76, %dma_start3A_77] : memref<10000x32xf32, #tpu.memory_space<hbm>> -> memref<10000x32xf32, #tpu.memory_space<hbm>>
    tpu.enqueue_indirect_dma source(%dma_start3A_78 : memref<10000x32xf32, #tpu.memory_space<hbm>>) target(%dma_start3A_73 : memref<40x32xf32, #tpu.memory_space<vmem>>) offsets(%dma_start3A_75 : memref<40xi32, #tpu.memory_space<vmem>>) semaphore(%arg17 : memref<!tpu.dma_semaphore, #tpu.memory_space<semaphore_mem>>)
    %dma_start3A_79 = arith.constant 160 : i32
    %dma_start3A_80 = arith.constant 0 : i32
    %dma_start3A_81 = tpu.memref_slice %arg11[%dma_start3A_79, %dma_start3A_80] : memref<200x32xf32, #tpu.memory_space<vmem>> -> memref<40x32xf32, #tpu.memory_space<vmem>>
    %dma_start3A_82 = arith.constant 160 : i32
    %dma_start3A_83 = tpu.memref_slice %arg9[%dma_start3A_82] : memref<200xi32, #tpu.memory_space<vmem>> -> memref<40xi32, #tpu.memory_space<vmem>>
    %dma_start3A_84 = arith.constant 0 : i32
    %dma_start3A_85 = arith.constant 0 : i32
    %dma_start3A_86 = tpu.memref_slice %arg2[%dma_start3A_84, %dma_start3A_85] : memref<10000x32xf32, #tpu.memory_space<hbm>> -> memref<10000x32xf32, #tpu.memory_space<hbm>>
    tpu.enqueue_indirect_dma source(%dma_start3A_86 : memref<10000x32xf32, #tpu.memory_space<hbm>>) target(%dma_start3A_81 : memref<40x32xf32, #tpu.memory_space<vmem>>) offsets(%dma_start3A_83 : memref<40xi32, #tpu.memory_space<vmem>>) semaphore(%arg17 : memref<!tpu.dma_semaphore, #tpu.memory_space<semaphore_mem>>)
    %dma_start3A_87 = arith.constant 160 : i32
    %dma_start3A_88 = arith.constant 0 : i32
    %dma_start3A_89 = tpu.memref_slice %arg13[%dma_start3A_87, %dma_start3A_88] : memref<200x32xf32, #tpu.memory_space<vmem>> -> memref<40x32xf32, #tpu.memory_space<vmem>>
    %dma_start3A_90 = arith.constant 160 : i32
    %dma_start3A_91 = tpu.memref_slice %arg7[%dma_start3A_90] : memref<200xi32, #tpu.memory_space<vmem>> -> memref<40xi32, #tpu.memory_space<vmem>>
    %dma_start3A_92 = arith.constant 0 : i32
    %dma_start3A_93 = arith.constant 0 : i32
    %dma_start3A_94 = tpu.memref_slice %arg3[%dma_start3A_92, %dma_start3A_93] : memref<10000x32xf32, #tpu.memory_space<hbm>> -> memref<10000x32xf32, #tpu.memory_space<hbm>>
    tpu.enqueue_indirect_dma source(%dma_start3A_94 : memref<10000x32xf32, #tpu.memory_space<hbm>>) target(%dma_start3A_89 : memref<40x32xf32, #tpu.memory_space<vmem>>) offsets(%dma_start3A_91 : memref<40xi32, #tpu.memory_space<vmem>>) semaphore(%arg17 : memref<!tpu.dma_semaphore, #tpu.memory_space<semaphore_mem>>)
    %add3A_95 = arith.constant 200 : i32
    %add3A_96 = arith.addi %mul3A_2, %add3A_95 : i32
    %dma_start3A_97 = tpu.memref_slice %arg4[%add3A_96] : memref<320000xi32, #tpu.memory_space<hbm>> -> memref<200xi32, #tpu.memory_space<hbm>>
    %dma_start3A_98 = tpu.memref_slice %arg4[%add3A_96] : memref<320000xi32, #tpu.memory_space<hbm>> -> memref<200xi32, #tpu.memory_space<hbm>>
    tpu.enqueue_dma source(%dma_start3A_98 : memref<200xi32, #tpu.memory_space<hbm>>) target(%arg8 : memref<200xi32, #tpu.memory_space<vmem>>) target_semaphore(%arg16 : memref<!tpu.dma_semaphore, #tpu.memory_space<semaphore_mem>>)
    %dma_start3A_99 = tpu.memref_slice %arg5[%add3A_96] : memref<320000xi32, #tpu.memory_space<hbm>> -> memref<200xi32, #tpu.memory_space<hbm>>
    %dma_start3A_100 = tpu.memref_slice %arg5[%add3A_96] : memref<320000xi32, #tpu.memory_space<hbm>> -> memref<200xi32, #tpu.memory_space<hbm>>
    tpu.enqueue_dma source(%dma_start3A_100 : memref<200xi32, #tpu.memory_space<hbm>>) target(%arg10 : memref<200xi32, #tpu.memory_space<vmem>>) target_semaphore(%arg16 : memref<!tpu.dma_semaphore, #tpu.memory_space<semaphore_mem>>)
    %scan3A = arith.constant 0 : i32
    %scan3A_101 = arith.constant 0 : i32
    %scan3A_102 = arith.constant 25 : i32
    %scan3A_103 = arith.addi %scan3A_101, %scan3A_102 : i32
    %scan3A_104 = arith.constant 1 : i32
    scf.for %scan3A_106 = %scan3A_101 to %scan3A_103 step %scan3A_104  : i32 {
      %mul3A_107 = arith.constant 2 : i32
      %mul3A_108 = arith.muli %mul3A_107, %scan3A_106 : i32
      %dma_wait3A_109 = arith.constant 0 : i32
      %dma_wait3A_110 = arith.constant 0 : i32
      %dma_wait3A_111 = tpu.memref_slice %arg2[%dma_wait3A_109, %dma_wait3A_110] : memref<10000x32xf32, #tpu.memory_space<hbm>> -> memref<200x32xf32, #tpu.memory_space<hbm>>
      %dma_wait3A_112 = arith.constant 0 : i32
      %dma_wait3A_113 = arith.constant 0 : i32
      %dma_wait3A_114 = tpu.memref_slice %arg2[%dma_wait3A_112, %dma_wait3A_113] : memref<10000x32xf32, #tpu.memory_space<hbm>> -> memref<200x32xf32, #tpu.memory_space<hbm>>
      tpu.wait_dma2 semaphore(%arg17 : memref<!tpu.dma_semaphore, #tpu.memory_space<semaphore_mem>>) src(%dma_wait3A_114 : memref<200x32xf32, #tpu.memory_space<hbm>>) dst(%arg11 : memref<200x32xf32, #tpu.memory_space<vmem>>)
      %dma_wait3A_115 = arith.constant 0 : i32
      %dma_wait3A_116 = arith.constant 0 : i32
      %dma_wait3A_117 = tpu.memref_slice %arg3[%dma_wait3A_115, %dma_wait3A_116] : memref<10000x32xf32, #tpu.memory_space<hbm>> -> memref<200x32xf32, #tpu.memory_space<hbm>>
      %dma_wait3A_118 = arith.constant 0 : i32
      %dma_wait3A_119 = arith.constant 0 : i32
      %dma_wait3A_120 = tpu.memref_slice %arg3[%dma_wait3A_118, %dma_wait3A_119] : memref<10000x32xf32, #tpu.memory_space<hbm>> -> memref<200x32xf32, #tpu.memory_space<hbm>>
      tpu.wait_dma2 semaphore(%arg17 : memref<!tpu.dma_semaphore, #tpu.memory_space<semaphore_mem>>) src(%dma_wait3A_120 : memref<200x32xf32, #tpu.memory_space<hbm>>) dst(%arg13 : memref<200x32xf32, #tpu.memory_space<vmem>>)
      %add3A_121 = arith.constant 1 : i32
      %add3A_122 = arith.addi %mul3A_108, %add3A_121 : i32
      %lt3A = arith.constant 50 : i32
      %lt3A_123 = arith.cmpi slt, %add3A_122, %lt3A : i32
      %convert_element_type3A = arith.extui %lt3A_123 : i1 to i32
      %cond3A = arith.constant 0 : i32
      %cond3A_124 = arith.cmpi ne, %convert_element_type3A, %cond3A : i32
      scf.if %cond3A_124 {
        %dma_wait3A_173 = arith.constant 0 : i32
        %dma_wait3A_174 = tpu.memref_slice %arg4[%dma_wait3A_173] : memref<320000xi32, #tpu.memory_space<hbm>> -> memref<200xi32, #tpu.memory_space<hbm>>
        %dma_wait3A_175 = arith.constant 0 : i32
        %dma_wait3A_176 = tpu.memref_slice %arg4[%dma_wait3A_175] : memref<320000xi32, #tpu.memory_space<hbm>> -> memref<200xi32, #tpu.memory_space<hbm>>
        tpu.wait_dma2 semaphore(%arg16 : memref<!tpu.dma_semaphore, #tpu.memory_space<semaphore_mem>>) src(%dma_wait3A_176 : memref<200xi32, #tpu.memory_space<hbm>>) dst(%arg8 : memref<200xi32, #tpu.memory_space<vmem>>)
        %dma_wait3A_177 = arith.constant 0 : i32
        %dma_wait3A_178 = tpu.memref_slice %arg5[%dma_wait3A_177] : memref<320000xi32, #tpu.memory_space<hbm>> -> memref<200xi32, #tpu.memory_space<hbm>>
        %dma_wait3A_179 = arith.constant 0 : i32
        %dma_wait3A_180 = tpu.memref_slice %arg5[%dma_wait3A_179] : memref<320000xi32, #tpu.memory_space<hbm>> -> memref<200xi32, #tpu.memory_space<hbm>>
        tpu.wait_dma2 semaphore(%arg16 : memref<!tpu.dma_semaphore, #tpu.memory_space<semaphore_mem>>) src(%dma_wait3A_180 : memref<200xi32, #tpu.memory_space<hbm>>) dst(%arg10 : memref<200xi32, #tpu.memory_space<vmem>>)
        %dma_start3A_181 = arith.constant 0 : i32
        %dma_start3A_182 = arith.constant 0 : i32
        %dma_start3A_183 = tpu.memref_slice %arg12[%dma_start3A_181, %dma_start3A_182] : memref<200x32xf32, #tpu.memory_space<vmem>> -> memref<40x32xf32, #tpu.memory_space<vmem>>
        %dma_start3A_184 = arith.constant 0 : i32
        %dma_start3A_185 = tpu.memref_slice %arg10[%dma_start3A_184] : memref<200xi32, #tpu.memory_space<vmem>> -> memref<40xi32, #tpu.memory_space<vmem>>
        %dma_start3A_186 = arith.constant 0 : i32
        %dma_start3A_187 = arith.constant 0 : i32
        %dma_start3A_188 = tpu.memref_slice %arg2[%dma_start3A_186, %dma_start3A_187] : memref<10000x32xf32, #tpu.memory_space<hbm>> -> memref<10000x32xf32, #tpu.memory_space<hbm>>
        tpu.enqueue_indirect_dma source(%dma_start3A_188 : memref<10000x32xf32, #tpu.memory_space<hbm>>) target(%dma_start3A_183 : memref<40x32xf32, #tpu.memory_space<vmem>>) offsets(%dma_start3A_185 : memref<40xi32, #tpu.memory_space<vmem>>) semaphore(%arg18 : memref<!tpu.dma_semaphore, #tpu.memory_space<semaphore_mem>>)
        %dma_start3A_189 = arith.constant 0 : i32
        %dma_start3A_190 = arith.constant 0 : i32
        %dma_start3A_191 = tpu.memref_slice %arg14[%dma_start3A_189, %dma_start3A_190] : memref<200x32xf32, #tpu.memory_space<vmem>> -> memref<40x32xf32, #tpu.memory_space<vmem>>
        %dma_start3A_192 = arith.constant 0 : i32
        %dma_start3A_193 = tpu.memref_slice %arg8[%dma_start3A_192] : memref<200xi32, #tpu.memory_space<vmem>> -> memref<40xi32, #tpu.memory_space<vmem>>
        %dma_start3A_194 = arith.constant 0 : i32
        %dma_start3A_195 = arith.constant 0 : i32
        %dma_start3A_196 = tpu.memref_slice %arg3[%dma_start3A_194, %dma_start3A_195] : memref<10000x32xf32, #tpu.memory_space<hbm>> -> memref<10000x32xf32, #tpu.memory_space<hbm>>
        tpu.enqueue_indirect_dma source(%dma_start3A_196 : memref<10000x32xf32, #tpu.memory_space<hbm>>) target(%dma_start3A_191 : memref<40x32xf32, #tpu.memory_space<vmem>>) offsets(%dma_start3A_193 : memref<40xi32, #tpu.memory_space<vmem>>) semaphore(%arg18 : memref<!tpu.dma_semaphore, #tpu.memory_space<semaphore_mem>>)
        %dma_start3A_197 = arith.constant 40 : i32
        %dma_start3A_198 = arith.constant 0 : i32
        %dma_start3A_199 = tpu.memref_slice %arg12[%dma_start3A_197, %dma_start3A_198] : memref<200x32xf32, #tpu.memory_space<vmem>> -> memref<40x32xf32, #tpu.memory_space<vmem>>
        %dma_start3A_200 = arith.constant 40 : i32
        %dma_start3A_201 = tpu.memref_slice %arg10[%dma_start3A_200] : memref<200xi32, #tpu.memory_space<vmem>> -> memref<40xi32, #tpu.memory_space<vmem>>
        %dma_start3A_202 = arith.constant 0 : i32
        %dma_start3A_203 = arith.constant 0 : i32
        %dma_start3A_204 = tpu.memref_slice %arg2[%dma_start3A_202, %dma_start3A_203] : memref<10000x32xf32, #tpu.memory_space<hbm>> -> memref<10000x32xf32, #tpu.memory_space<hbm>>
        tpu.enqueue_indirect_dma source(%dma_start3A_204 : memref<10000x32xf32, #tpu.memory_space<hbm>>) target(%dma_start3A_199 : memref<40x32xf32, #tpu.memory_space<vmem>>) offsets(%dma_start3A_201 : memref<40xi32, #tpu.memory_space<vmem>>) semaphore(%arg18 : memref<!tpu.dma_semaphore, #tpu.memory_space<semaphore_mem>>)
        %dma_start3A_205 = arith.constant 40 : i32
        %dma_start3A_206 = arith.constant 0 : i32
        %dma_start3A_207 = tpu.memref_slice %arg14[%dma_start3A_205, %dma_start3A_206] : memref<200x32xf32, #tpu.memory_space<vmem>> -> memref<40x32xf32, #tpu.memory_space<vmem>>
        %dma_start3A_208 = arith.constant 40 : i32
        %dma_start3A_209 = tpu.memref_slice %arg8[%dma_start3A_208] : memref<200xi32, #tpu.memory_space<vmem>> -> memref<40xi32, #tpu.memory_space<vmem>>
        %dma_start3A_210 = arith.constant 0 : i32
        %dma_start3A_211 = arith.constant 0 : i32
        %dma_start3A_212 = tpu.memref_slice %arg3[%dma_start3A_210, %dma_start3A_211] : memref<10000x32xf32, #tpu.memory_space<hbm>> -> memref<10000x32xf32, #tpu.memory_space<hbm>>
        tpu.enqueue_indirect_dma source(%dma_start3A_212 : memref<10000x32xf32, #tpu.memory_space<hbm>>) target(%dma_start3A_207 : memref<40x32xf32, #tpu.memory_space<vmem>>) offsets(%dma_start3A_209 : memref<40xi32, #tpu.memory_space<vmem>>) semaphore(%arg18 : memref<!tpu.dma_semaphore, #tpu.memory_space<semaphore_mem>>)
        %dma_start3A_213 = arith.constant 80 : i32
        %dma_start3A_214 = arith.constant 0 : i32
        %dma_start3A_215 = tpu.memref_slice %arg12[%dma_start3A_213, %dma_start3A_214] : memref<200x32xf32, #tpu.memory_space<vmem>> -> memref<40x32xf32, #tpu.memory_space<vmem>>
        %dma_start3A_216 = arith.constant 80 : i32
        %dma_start3A_217 = tpu.memref_slice %arg10[%dma_start3A_216] : memref<200xi32, #tpu.memory_space<vmem>> -> memref<40xi32, #tpu.memory_space<vmem>>
        %dma_start3A_218 = arith.constant 0 : i32
        %dma_start3A_219 = arith.constant 0 : i32
        %dma_start3A_220 = tpu.memref_slice %arg2[%dma_start3A_218, %dma_start3A_219] : memref<10000x32xf32, #tpu.memory_space<hbm>> -> memref<10000x32xf32, #tpu.memory_space<hbm>>
        tpu.enqueue_indirect_dma source(%dma_start3A_220 : memref<10000x32xf32, #tpu.memory_space<hbm>>) target(%dma_start3A_215 : memref<40x32xf32, #tpu.memory_space<vmem>>) offsets(%dma_start3A_217 : memref<40xi32, #tpu.memory_space<vmem>>) semaphore(%arg18 : memref<!tpu.dma_semaphore, #tpu.memory_space<semaphore_mem>>)
        %dma_start3A_221 = arith.constant 80 : i32
        %dma_start3A_222 = arith.constant 0 : i32
        %dma_start3A_223 = tpu.memref_slice %arg14[%dma_start3A_221, %dma_start3A_222] : memref<200x32xf32, #tpu.memory_space<vmem>> -> memref<40x32xf32, #tpu.memory_space<vmem>>
        %dma_start3A_224 = arith.constant 80 : i32
        %dma_start3A_225 = tpu.memref_slice %arg8[%dma_start3A_224] : memref<200xi32, #tpu.memory_space<vmem>> -> memref<40xi32, #tpu.memory_space<vmem>>
        %dma_start3A_226 = arith.constant 0 : i32
        %dma_start3A_227 = arith.constant 0 : i32
        %dma_start3A_228 = tpu.memref_slice %arg3[%dma_start3A_226, %dma_start3A_227] : memref<10000x32xf32, #tpu.memory_space<hbm>> -> memref<10000x32xf32, #tpu.memory_space<hbm>>
        tpu.enqueue_indirect_dma source(%dma_start3A_228 : memref<10000x32xf32, #tpu.memory_space<hbm>>) target(%dma_start3A_223 : memref<40x32xf32, #tpu.memory_space<vmem>>) offsets(%dma_start3A_225 : memref<40xi32, #tpu.memory_space<vmem>>) semaphore(%arg18 : memref<!tpu.dma_semaphore, #tpu.memory_space<semaphore_mem>>)
        %dma_start3A_229 = arith.constant 120 : i32
        %dma_start3A_230 = arith.constant 0 : i32
        %dma_start3A_231 = tpu.memref_slice %arg12[%dma_start3A_229, %dma_start3A_230] : memref<200x32xf32, #tpu.memory_space<vmem>> -> memref<40x32xf32, #tpu.memory_space<vmem>>
        %dma_start3A_232 = arith.constant 120 : i32
        %dma_start3A_233 = tpu.memref_slice %arg10[%dma_start3A_232] : memref<200xi32, #tpu.memory_space<vmem>> -> memref<40xi32, #tpu.memory_space<vmem>>
        %dma_start3A_234 = arith.constant 0 : i32
        %dma_start3A_235 = arith.constant 0 : i32
        %dma_start3A_236 = tpu.memref_slice %arg2[%dma_start3A_234, %dma_start3A_235] : memref<10000x32xf32, #tpu.memory_space<hbm>> -> memref<10000x32xf32, #tpu.memory_space<hbm>>
        tpu.enqueue_indirect_dma source(%dma_start3A_236 : memref<10000x32xf32, #tpu.memory_space<hbm>>) target(%dma_start3A_231 : memref<40x32xf32, #tpu.memory_space<vmem>>) offsets(%dma_start3A_233 : memref<40xi32, #tpu.memory_space<vmem>>) semaphore(%arg18 : memref<!tpu.dma_semaphore, #tpu.memory_space<semaphore_mem>>)
        %dma_start3A_237 = arith.constant 120 : i32
        %dma_start3A_238 = arith.constant 0 : i32
        %dma_start3A_239 = tpu.memref_slice %arg14[%dma_start3A_237, %dma_start3A_238] : memref<200x32xf32, #tpu.memory_space<vmem>> -> memref<40x32xf32, #tpu.memory_space<vmem>>
        %dma_start3A_240 = arith.constant 120 : i32
        %dma_start3A_241 = tpu.memref_slice %arg8[%dma_start3A_240] : memref<200xi32, #tpu.memory_space<vmem>> -> memref<40xi32, #tpu.memory_space<vmem>>
        %dma_start3A_242 = arith.constant 0 : i32
        %dma_start3A_243 = arith.constant 0 : i32
        %dma_start3A_244 = tpu.memref_slice %arg3[%dma_start3A_242, %dma_start3A_243] : memref<10000x32xf32, #tpu.memory_space<hbm>> -> memref<10000x32xf32, #tpu.memory_space<hbm>>
        tpu.enqueue_indirect_dma source(%dma_start3A_244 : memref<10000x32xf32, #tpu.memory_space<hbm>>) target(%dma_start3A_239 : memref<40x32xf32, #tpu.memory_space<vmem>>) offsets(%dma_start3A_241 : memref<40xi32, #tpu.memory_space<vmem>>) semaphore(%arg18 : memref<!tpu.dma_semaphore, #tpu.memory_space<semaphore_mem>>)
        %dma_start3A_245 = arith.constant 160 : i32
        %dma_start3A_246 = arith.constant 0 : i32
        %dma_start3A_247 = tpu.memref_slice %arg12[%dma_start3A_245, %dma_start3A_246] : memref<200x32xf32, #tpu.memory_space<vmem>> -> memref<40x32xf32, #tpu.memory_space<vmem>>
        %dma_start3A_248 = arith.constant 160 : i32
        %dma_start3A_249 = tpu.memref_slice %arg10[%dma_start3A_248] : memref<200xi32, #tpu.memory_space<vmem>> -> memref<40xi32, #tpu.memory_space<vmem>>
        %dma_start3A_250 = arith.constant 0 : i32
        %dma_start3A_251 = arith.constant 0 : i32
        %dma_start3A_252 = tpu.memref_slice %arg2[%dma_start3A_250, %dma_start3A_251] : memref<10000x32xf32, #tpu.memory_space<hbm>> -> memref<10000x32xf32, #tpu.memory_space<hbm>>
        tpu.enqueue_indirect_dma source(%dma_start3A_252 : memref<10000x32xf32, #tpu.memory_space<hbm>>) target(%dma_start3A_247 : memref<40x32xf32, #tpu.memory_space<vmem>>) offsets(%dma_start3A_249 : memref<40xi32, #tpu.memory_space<vmem>>) semaphore(%arg18 : memref<!tpu.dma_semaphore, #tpu.memory_space<semaphore_mem>>)
        %dma_start3A_253 = arith.constant 160 : i32
        %dma_start3A_254 = arith.constant 0 : i32
        %dma_start3A_255 = tpu.memref_slice %arg14[%dma_start3A_253, %dma_start3A_254] : memref<200x32xf32, #tpu.memory_space<vmem>> -> memref<40x32xf32, #tpu.memory_space<vmem>>
        %dma_start3A_256 = arith.constant 160 : i32
        %dma_start3A_257 = tpu.memref_slice %arg8[%dma_start3A_256] : memref<200xi32, #tpu.memory_space<vmem>> -> memref<40xi32, #tpu.memory_space<vmem>>
        %dma_start3A_258 = arith.constant 0 : i32
        %dma_start3A_259 = arith.constant 0 : i32
        %dma_start3A_260 = tpu.memref_slice %arg3[%dma_start3A_258, %dma_start3A_259] : memref<10000x32xf32, #tpu.memory_space<hbm>> -> memref<10000x32xf32, #tpu.memory_space<hbm>>
        tpu.enqueue_indirect_dma source(%dma_start3A_260 : memref<10000x32xf32, #tpu.memory_space<hbm>>) target(%dma_start3A_255 : memref<40x32xf32, #tpu.memory_space<vmem>>) offsets(%dma_start3A_257 : memref<40xi32, #tpu.memory_space<vmem>>) semaphore(%arg18 : memref<!tpu.dma_semaphore, #tpu.memory_space<semaphore_mem>>)
      } else {
      }
      %add3A_125 = arith.constant 2 : i32
      %add3A_126 = arith.addi %mul3A_108, %add3A_125 : i32
      %lt3A_127 = arith.constant 50 : i32
      %lt3A_128 = arith.cmpi slt, %add3A_126, %lt3A_127 : i32
      %convert_element_type3A_129 = arith.extui %lt3A_128 : i1 to i32
      %cond3A_130 = arith.constant 0 : i32
      %cond3A_131 = arith.cmpi ne, %convert_element_type3A_129, %cond3A_130 : i32
      scf.if %cond3A_131 {
        %add3A_173 = arith.constant 2 : i32
        %add3A_174 = arith.addi %mul3A_108, %add3A_173 : i32
        %mul3A_175 = arith.constant 200 : i32
        %mul3A_176 = arith.muli %add3A_174, %mul3A_175 : i32
        %add3A_177 = arith.addi %mul3A_2, %mul3A_176 : i32
        %dma_start3A_178 = tpu.memref_slice %arg4[%add3A_177] : memref<320000xi32, #tpu.memory_space<hbm>> -> memref<200xi32, #tpu.memory_space<hbm>>
        %dma_start3A_179 = tpu.memref_slice %arg4[%add3A_177] : memref<320000xi32, #tpu.memory_space<hbm>> -> memref<200xi32, #tpu.memory_space<hbm>>
        tpu.enqueue_dma source(%dma_start3A_179 : memref<200xi32, #tpu.memory_space<hbm>>) target(%arg7 : memref<200xi32, #tpu.memory_space<vmem>>) target_semaphore(%arg15 : memref<!tpu.dma_semaphore, #tpu.memory_space<semaphore_mem>>)
        %dma_start3A_180 = tpu.memref_slice %arg5[%add3A_177] : memref<320000xi32, #tpu.memory_space<hbm>> -> memref<200xi32, #tpu.memory_space<hbm>>
        %dma_start3A_181 = tpu.memref_slice %arg5[%add3A_177] : memref<320000xi32, #tpu.memory_space<hbm>> -> memref<200xi32, #tpu.memory_space<hbm>>
        tpu.enqueue_dma source(%dma_start3A_181 : memref<200xi32, #tpu.memory_space<hbm>>) target(%arg9 : memref<200xi32, #tpu.memory_space<vmem>>) target_semaphore(%arg15 : memref<!tpu.dma_semaphore, #tpu.memory_space<semaphore_mem>>)
      } else {
      }
      %parallel_loop3A = arith.constant 0 : i32
      %parallel_loop3A_132 = arith.constant 200 : i32
      %parallel_loop3A_133 = arith.constant 1 : i32
      scf.for %parallel_loop3A_173 = %parallel_loop3A to %parallel_loop3A_132 step %parallel_loop3A_133  : i32 {
        %parallel_loop3A_174 = arith.index_cast %parallel_loop3A_173 : i32 to index
        %parallel_loop3A_175 = arith.constant 0 : index
        %parallel_loop3A_176 = tpu.vector_load %arg11[%parallel_loop3A_174, %parallel_loop3A_175] {strides = array<i32>} : memref<200x32xf32, #tpu.memory_space<vmem>>, vector<16xf32>,
        %parallel_loop3A_177 = arith.index_cast %parallel_loop3A_173 : i32 to index
        %parallel_loop3A_178 = arith.constant 0 : index
        %parallel_loop3A_179 = tpu.vector_load %arg13[%parallel_loop3A_177, %parallel_loop3A_178] {strides = array<i32>} : memref<200x32xf32, #tpu.memory_space<vmem>>, vector<16xf32>,
        %parallel_loop3A_180 = arith.addf %parallel_loop3A_176, %parallel_loop3A_179 : vector<16xf32>
        %parallel_loop3A_181 = arith.index_cast %parallel_loop3A_173 : i32 to index
        %parallel_loop3A_182 = arith.constant 0 : index
        %parallel_loop3A_183 = tpu.vector_load %arg11[%parallel_loop3A_181, %parallel_loop3A_182] {strides = array<i32>} : memref<200x32xf32, #tpu.memory_space<vmem>>, vector<16xf32>,
        tpu.vector_store %arg11[%parallel_loop3A_181, %parallel_loop3A_182], %parallel_loop3A_180 {strides = array<i32>} : memref<200x32xf32, #tpu.memory_space<vmem>>, vector<16xf32>,
        %parallel_loop3A_184 = arith.index_cast %parallel_loop3A_173 : i32 to index
        %parallel_loop3A_185 = arith.constant 16 : index
        %parallel_loop3A_186 = tpu.vector_load %arg11[%parallel_loop3A_184, %parallel_loop3A_185] {strides = array<i32>} : memref<200x32xf32, #tpu.memory_space<vmem>>, vector<16xf32>,
        %parallel_loop3A_187 = arith.index_cast %parallel_loop3A_173 : i32 to index
        %parallel_loop3A_188 = arith.constant 16 : index
        %parallel_loop3A_189 = tpu.vector_load %arg13[%parallel_loop3A_187, %parallel_loop3A_188] {strides = array<i32>} : memref<200x32xf32, #tpu.memory_space<vmem>>, vector<16xf32>,
        %parallel_loop3A_190 = arith.addf %parallel_loop3A_186, %parallel_loop3A_189 : vector<16xf32>
        %parallel_loop3A_191 = arith.index_cast %parallel_loop3A_173 : i32 to index
        %parallel_loop3A_192 = arith.constant 16 : index
        %parallel_loop3A_193 = tpu.vector_load %arg11[%parallel_loop3A_191, %parallel_loop3A_192] {strides = array<i32>} : memref<200x32xf32, #tpu.memory_space<vmem>>, vector<16xf32>,
        tpu.vector_store %arg11[%parallel_loop3A_191, %parallel_loop3A_192], %parallel_loop3A_190 {strides = array<i32>} : memref<200x32xf32, #tpu.memory_space<vmem>>, vector<16xf32>,
      } {sc.loop_unroll_factor = 4 : i64, sc.parallel_access}
      %mul3A_134 = arith.constant 200 : i32
      %mul3A_135 = arith.muli %mul3A_108, %mul3A_134 : i32
      %add3A_136 = arith.addi %mul3A_2, %mul3A_135 : i32
      "tpu.region"() ({
        %run_scoped3A = tpu.sem_alloc : memref<!tpu.dma_semaphore, #tpu.memory_space<semaphore_mem>>
        %dma_start3A_173 = arith.constant 0 : i32
        %dma_start3A_174 = tpu.memref_slice %arg6[%add3A_136, %dma_start3A_173] : memref<320000x32xf32, #tpu.memory_space<hbm>> -> memref<200x32xf32, #tpu.memory_space<hbm>>
        %dma_start3A_175 = arith.constant 0 : i32
        %dma_start3A_176 = tpu.memref_slice %arg6[%add3A_136, %dma_start3A_175] : memref<320000x32xf32, #tpu.memory_space<hbm>> -> memref<200x32xf32, #tpu.memory_space<hbm>>
        tpu.enqueue_dma source(%arg11 : memref<200x32xf32, #tpu.memory_space<vmem>>) target(%dma_start3A_176 : memref<200x32xf32, #tpu.memory_space<hbm>>) target_semaphore(%run_scoped3A : memref<!tpu.dma_semaphore, #tpu.memory_space<semaphore_mem>>)
        %dma_wait3A_177 = arith.constant 0 : i32
        %dma_wait3A_178 = tpu.memref_slice %arg6[%add3A_136, %dma_wait3A_177] : memref<320000x32xf32, #tpu.memory_space<hbm>> -> memref<200x32xf32, #tpu.memory_space<hbm>>
        %dma_wait3A_179 = arith.constant 0 : i32
        %dma_wait3A_180 = tpu.memref_slice %arg6[%add3A_136, %dma_wait3A_179] : memref<320000x32xf32, #tpu.memory_space<hbm>> -> memref<200x32xf32, #tpu.memory_space<hbm>>
        tpu.wait_dma2 semaphore(%run_scoped3A : memref<!tpu.dma_semaphore, #tpu.memory_space<semaphore_mem>>) src(%arg11 : memref<200x32xf32, #tpu.memory_space<vmem>>) dst(%dma_wait3A_180 : memref<200x32xf32, #tpu.memory_space<hbm>>)
        tpu.yield
      }) : () -> ()
      %mul3A_137 = arith.constant 2 : i32
      %mul3A_138 = arith.muli %mul3A_137, %scan3A_106 : i32
      %add3A_139 = arith.constant 1 : i32
      %add3A_140 = arith.addi %mul3A_138, %add3A_139 : i32
      %dma_wait3A_141 = arith.constant 0 : i32
      %dma_wait3A_142 = arith.constant 0 : i32
      %dma_wait3A_143 = tpu.memref_slice %arg2[%dma_wait3A_141, %dma_wait3A_142] : memref<10000x32xf32, #tpu.memory_space<hbm>> -> memref<200x32xf32, #tpu.memory_space<hbm>>
      %dma_wait3A_144 = arith.constant 0 : i32
      %dma_wait3A_145 = arith.constant 0 : i32
      %dma_wait3A_146 = tpu.memref_slice %arg2[%dma_wait3A_144, %dma_wait3A_145] : memref<10000x32xf32, #tpu.memory_space<hbm>> -> memref<200x32xf32, #tpu.memory_space<hbm>>
      tpu.wait_dma2 semaphore(%arg18 : memref<!tpu.dma_semaphore, #tpu.memory_space<semaphore_mem>>) src(%dma_wait3A_146 : memref<200x32xf32, #tpu.memory_space<hbm>>) dst(%arg12 : memref<200x32xf32, #tpu.memory_space<vmem>>)
      %dma_wait3A_147 = arith.constant 0 : i32
      %dma_wait3A_148 = arith.constant 0 : i32
      %dma_wait3A_149 = tpu.memref_slice %arg3[%dma_wait3A_147, %dma_wait3A_148] : memref<10000x32xf32, #tpu.memory_space<hbm>> -> memref<200x32xf32, #tpu.memory_space<hbm>>
      %dma_wait3A_150 = arith.constant 0 : i32
      %dma_wait3A_151 = arith.constant 0 : i32
      %dma_wait3A_152 = tpu.memref_slice %arg3[%dma_wait3A_150, %dma_wait3A_151] : memref<10000x32xf32, #tpu.memory_space<hbm>> -> memref<200x32xf32, #tpu.memory_space<hbm>>
      tpu.wait_dma2 semaphore(%arg18 : memref<!tpu.dma_semaphore, #tpu.memory_space<semaphore_mem>>) src(%dma_wait3A_152 : memref<200x32xf32, #tpu.memory_space<hbm>>) dst(%arg14 : memref<200x32xf32, #tpu.memory_space<vmem>>)
      %add3A_153 = arith.constant 1 : i32
      %add3A_154 = arith.addi %add3A_140, %add3A_153 : i32
      %lt3A_155 = arith.constant 50 : i32
      %lt3A_156 = arith.cmpi slt, %add3A_154, %lt3A_155 : i32
      %convert_element_type3A_157 = arith.extui %lt3A_156 : i1 to i32
      %cond3A_158 = arith.constant 0 : i32
      %cond3A_159 = arith.cmpi ne, %convert_element_type3A_157, %cond3A_158 : i32
      scf.if %cond3A_159 {
        %dma_wait3A_173 = arith.constant 0 : i32
        %dma_wait3A_174 = tpu.memref_slice %arg4[%dma_wait3A_173] : memref<320000xi32, #tpu.memory_space<hbm>> -> memref<200xi32, #tpu.memory_space<hbm>>
        %dma_wait3A_175 = arith.constant 0 : i32
        %dma_wait3A_176 = tpu.memref_slice %arg4[%dma_wait3A_175] : memref<320000xi32, #tpu.memory_space<hbm>> -> memref<200xi32, #tpu.memory_space<hbm>>
        tpu.wait_dma2 semaphore(%arg15 : memref<!tpu.dma_semaphore, #tpu.memory_space<semaphore_mem>>) src(%dma_wait3A_176 : memref<200xi32, #tpu.memory_space<hbm>>) dst(%arg7 : memref<200xi32, #tpu.memory_space<vmem>>)
        %dma_wait3A_177 = arith.constant 0 : i32
        %dma_wait3A_178 = tpu.memref_slice %arg5[%dma_wait3A_177] : memref<320000xi32, #tpu.memory_space<hbm>> -> memref<200xi32, #tpu.memory_space<hbm>>
        %dma_wait3A_179 = arith.constant 0 : i32
        %dma_wait3A_180 = tpu.memref_slice %arg5[%dma_wait3A_179] : memref<320000xi32, #tpu.memory_space<hbm>> -> memref<200xi32, #tpu.memory_space<hbm>>
        tpu.wait_dma2 semaphore(%arg15 : memref<!tpu.dma_semaphore, #tpu.memory_space<semaphore_mem>>) src(%dma_wait3A_180 : memref<200xi32, #tpu.memory_space<hbm>>) dst(%arg9 : memref<200xi32, #tpu.memory_space<vmem>>)
        %dma_start3A_181 = arith.constant 0 : i32
        %dma_start3A_182 = arith.constant 0 : i32
        %dma_start3A_183 = tpu.memref_slice %arg11[%dma_start3A_181, %dma_start3A_182] : memref<200x32xf32, #tpu.memory_space<vmem>> -> memref<40x32xf32, #tpu.memory_space<vmem>>
        %dma_start3A_184 = arith.constant 0 : i32
        %dma_start3A_185 = tpu.memref_slice %arg9[%dma_start3A_184] : memref<200xi32, #tpu.memory_space<vmem>> -> memref<40xi32, #tpu.memory_space<vmem>>
        %dma_start3A_186 = arith.constant 0 : i32
        %dma_start3A_187 = arith.constant 0 : i32
        %dma_start3A_188 = tpu.memref_slice %arg2[%dma_start3A_186, %dma_start3A_187] : memref<10000x32xf32, #tpu.memory_space<hbm>> -> memref<10000x32xf32, #tpu.memory_space<hbm>>
        tpu.enqueue_indirect_dma source(%dma_start3A_188 : memref<10000x32xf32, #tpu.memory_space<hbm>>) target(%dma_start3A_183 : memref<40x32xf32, #tpu.memory_space<vmem>>) offsets(%dma_start3A_185 : memref<40xi32, #tpu.memory_space<vmem>>) semaphore(%arg17 : memref<!tpu.dma_semaphore, #tpu.memory_space<semaphore_mem>>)
        %dma_start3A_189 = arith.constant 0 : i32
        %dma_start3A_190 = arith.constant 0 : i32
        %dma_start3A_191 = tpu.memref_slice %arg13[%dma_start3A_189, %dma_start3A_190] : memref<200x32xf32, #tpu.memory_space<vmem>> -> memref<40x32xf32, #tpu.memory_space<vmem>>
        %dma_start3A_192 = arith.constant 0 : i32
        %dma_start3A_193 = tpu.memref_slice %arg7[%dma_start3A_192] : memref<200xi32, #tpu.memory_space<vmem>> -> memref<40xi32, #tpu.memory_space<vmem>>
        %dma_start3A_194 = arith.constant 0 : i32
        %dma_start3A_195 = arith.constant 0 : i32
        %dma_start3A_196 = tpu.memref_slice %arg3[%dma_start3A_194, %dma_start3A_195] : memref<10000x32xf32, #tpu.memory_space<hbm>> -> memref<10000x32xf32, #tpu.memory_space<hbm>>
        tpu.enqueue_indirect_dma source(%dma_start3A_196 : memref<10000x32xf32, #tpu.memory_space<hbm>>) target(%dma_start3A_191 : memref<40x32xf32, #tpu.memory_space<vmem>>) offsets(%dma_start3A_193 : memref<40xi32, #tpu.memory_space<vmem>>) semaphore(%arg17 : memref<!tpu.dma_semaphore, #tpu.memory_space<semaphore_mem>>)
        %dma_start3A_197 = arith.constant 40 : i32
        %dma_start3A_198 = arith.constant 0 : i32
        %dma_start3A_199 = tpu.memref_slice %arg11[%dma_start3A_197, %dma_start3A_198] : memref<200x32xf32, #tpu.memory_space<vmem>> -> memref<40x32xf32, #tpu.memory_space<vmem>>
        %dma_start3A_200 = arith.constant 40 : i32
        %dma_start3A_201 = tpu.memref_slice %arg9[%dma_start3A_200] : memref<200xi32, #tpu.memory_space<vmem>> -> memref<40xi32, #tpu.memory_space<vmem>>
        %dma_start3A_202 = arith.constant 0 : i32
        %dma_start3A_203 = arith.constant 0 : i32
        %dma_start3A_204 = tpu.memref_slice %arg2[%dma_start3A_202, %dma_start3A_203] : memref<10000x32xf32, #tpu.memory_space<hbm>> -> memref<10000x32xf32, #tpu.memory_space<hbm>>
        tpu.enqueue_indirect_dma source(%dma_start3A_204 : memref<10000x32xf32, #tpu.memory_space<hbm>>) target(%dma_start3A_199 : memref<40x32xf32, #tpu.memory_space<vmem>>) offsets(%dma_start3A_201 : memref<40xi32, #tpu.memory_space<vmem>>) semaphore(%arg17 : memref<!tpu.dma_semaphore, #tpu.memory_space<semaphore_mem>>)
        %dma_start3A_205 = arith.constant 40 : i32
        %dma_start3A_206 = arith.constant 0 : i32
        %dma_start3A_207 = tpu.memref_slice %arg13[%dma_start3A_205, %dma_start3A_206] : memref<200x32xf32, #tpu.memory_space<vmem>> -> memref<40x32xf32, #tpu.memory_space<vmem>>
        %dma_start3A_208 = arith.constant 40 : i32
        %dma_start3A_209 = tpu.memref_slice %arg7[%dma_start3A_208] : memref<200xi32, #tpu.memory_space<vmem>> -> memref<40xi32, #tpu.memory_space<vmem>>
        %dma_start3A_210 = arith.constant 0 : i32
        %dma_start3A_211 = arith.constant 0 : i32
        %dma_start3A_212 = tpu.memref_slice %arg3[%dma_start3A_210, %dma_start3A_211] : memref<10000x32xf32, #tpu.memory_space<hbm>> -> memref<10000x32xf32, #tpu.memory_space<hbm>>
        tpu.enqueue_indirect_dma source(%dma_start3A_212 : memref<10000x32xf32, #tpu.memory_space<hbm>>) target(%dma_start3A_207 : memref<40x32xf32, #tpu.memory_space<vmem>>) offsets(%dma_start3A_209 : memref<40xi32, #tpu.memory_space<vmem>>) semaphore(%arg17 : memref<!tpu.dma_semaphore, #tpu.memory_space<semaphore_mem>>)
        %dma_start3A_213 = arith.constant 80 : i32
        %dma_start3A_214 = arith.constant 0 : i32
        %dma_start3A_215 = tpu.memref_slice %arg11[%dma_start3A_213, %dma_start3A_214] : memref<200x32xf32, #tpu.memory_space<vmem>> -> memref<40x32xf32, #tpu.memory_space<vmem>>
        %dma_start3A_216 = arith.constant 80 : i32
        %dma_start3A_217 = tpu.memref_slice %arg9[%dma_start3A_216] : memref<200xi32, #tpu.memory_space<vmem>> -> memref<40xi32, #tpu.memory_space<vmem>>
        %dma_start3A_218 = arith.constant 0 : i32
        %dma_start3A_219 = arith.constant 0 : i32
        %dma_start3A_220 = tpu.memref_slice %arg2[%dma_start3A_218, %dma_start3A_219] : memref<10000x32xf32, #tpu.memory_space<hbm>> -> memref<10000x32xf32, #tpu.memory_space<hbm>>
        tpu.enqueue_indirect_dma source(%dma_start3A_220 : memref<10000x32xf32, #tpu.memory_space<hbm>>) target(%dma_start3A_215 : memref<40x32xf32, #tpu.memory_space<vmem>>) offsets(%dma_start3A_217 : memref<40xi32, #tpu.memory_space<vmem>>) semaphore(%arg17 : memref<!tpu.dma_semaphore, #tpu.memory_space<semaphore_mem>>)
        %dma_start3A_221 = arith.constant 80 : i32
        %dma_start3A_222 = arith.constant 0 : i32
        %dma_start3A_223 = tpu.memref_slice %arg13[%dma_start3A_221, %dma_start3A_222] : memref<200x32xf32, #tpu.memory_space<vmem>> -> memref<40x32xf32, #tpu.memory_space<vmem>>
        %dma_start3A_224 = arith.constant 80 : i32
        %dma_start3A_225 = tpu.memref_slice %arg7[%dma_start3A_224] : memref<200xi32, #tpu.memory_space<vmem>> -> memref<40xi32, #tpu.memory_space<vmem>>
        %dma_start3A_226 = arith.constant 0 : i32
        %dma_start3A_227 = arith.constant 0 : i32
        %dma_start3A_228 = tpu.memref_slice %arg3[%dma_start3A_226, %dma_start3A_227] : memref<10000x32xf32, #tpu.memory_space<hbm>> -> memref<10000x32xf32, #tpu.memory_space<hbm>>
        tpu.enqueue_indirect_dma source(%dma_start3A_228 : memref<10000x32xf32, #tpu.memory_space<hbm>>) target(%dma_start3A_223 : memref<40x32xf32, #tpu.memory_space<vmem>>) offsets(%dma_start3A_225 : memref<40xi32, #tpu.memory_space<vmem>>) semaphore(%arg17 : memref<!tpu.dma_semaphore, #tpu.memory_space<semaphore_mem>>)
        %dma_start3A_229 = arith.constant 120 : i32
        %dma_start3A_230 = arith.constant 0 : i32
        %dma_start3A_231 = tpu.memref_slice %arg11[%dma_start3A_229, %dma_start3A_230] : memref<200x32xf32, #tpu.memory_space<vmem>> -> memref<40x32xf32, #tpu.memory_space<vmem>>
        %dma_start3A_232 = arith.constant 120 : i32
        %dma_start3A_233 = tpu.memref_slice %arg9[%dma_start3A_232] : memref<200xi32, #tpu.memory_space<vmem>> -> memref<40xi32, #tpu.memory_space<vmem>>
        %dma_start3A_234 = arith.constant 0 : i32
        %dma_start3A_235 = arith.constant 0 : i32
        %dma_start3A_236 = tpu.memref_slice %arg2[%dma_start3A_234, %dma_start3A_235] : memref<10000x32xf32, #tpu.memory_space<hbm>> -> memref<10000x32xf32, #tpu.memory_space<hbm>>
        tpu.enqueue_indirect_dma source(%dma_start3A_236 : memref<10000x32xf32, #tpu.memory_space<hbm>>) target(%dma_start3A_231 : memref<40x32xf32, #tpu.memory_space<vmem>>) offsets(%dma_start3A_233 : memref<40xi32, #tpu.memory_space<vmem>>) semaphore(%arg17 : memref<!tpu.dma_semaphore, #tpu.memory_space<semaphore_mem>>)
        %dma_start3A_237 = arith.constant 120 : i32
        %dma_start3A_238 = arith.constant 0 : i32
        %dma_start3A_239 = tpu.memref_slice %arg13[%dma_start3A_237, %dma_start3A_238] : memref<200x32xf32, #tpu.memory_space<vmem>> -> memref<40x32xf32, #tpu.memory_space<vmem>>
        %dma_start3A_240 = arith.constant 120 : i32
        %dma_start3A_241 = tpu.memref_slice %arg7[%dma_start3A_240] : memref<200xi32, #tpu.memory_space<vmem>> -> memref<40xi32, #tpu.memory_space<vmem>>
        %dma_start3A_242 = arith.constant 0 : i32
        %dma_start3A_243 = arith.constant 0 : i32
        %dma_start3A_244 = tpu.memref_slice %arg3[%dma_start3A_242, %dma_start3A_243] : memref<10000x32xf32, #tpu.memory_space<hbm>> -> memref<10000x32xf32, #tpu.memory_space<hbm>>
        tpu.enqueue_indirect_dma source(%dma_start3A_244 : memref<10000x32xf32, #tpu.memory_space<hbm>>) target(%dma_start3A_239 : memref<40x32xf32, #tpu.memory_space<vmem>>) offsets(%dma_start3A_241 : memref<40xi32, #tpu.memory_space<vmem>>) semaphore(%arg17 : memref<!tpu.dma_semaphore, #tpu.memory_space<semaphore_mem>>)
        %dma_start3A_245 = arith.constant 160 : i32
        %dma_start3A_246 = arith.constant 0 : i32
        %dma_start3A_247 = tpu.memref_slice %arg11[%dma_start3A_245, %dma_start3A_246] : memref<200x32xf32, #tpu.memory_space<vmem>> -> memref<40x32xf32, #tpu.memory_space<vmem>>
        %dma_start3A_248 = arith.constant 160 : i32
        %dma_start3A_249 = tpu.memref_slice %arg9[%dma_start3A_248] : memref<200xi32, #tpu.memory_space<vmem>> -> memref<40xi32, #tpu.memory_space<vmem>>
        %dma_start3A_250 = arith.constant 0 : i32
        %dma_start3A_251 = arith.constant 0 : i32
        %dma_start3A_252 = tpu.memref_slice %arg2[%dma_start3A_250, %dma_start3A_251] : memref<10000x32xf32, #tpu.memory_space<hbm>> -> memref<10000x32xf32, #tpu.memory_space<hbm>>
        tpu.enqueue_indirect_dma source(%dma_start3A_252 : memref<10000x32xf32, #tpu.memory_space<hbm>>) target(%dma_start3A_247 : memref<40x32xf32, #tpu.memory_space<vmem>>) offsets(%dma_start3A_249 : memref<40xi32, #tpu.memory_space<vmem>>) semaphore(%arg17 : memref<!tpu.dma_semaphore, #tpu.memory_space<semaphore_mem>>)
        %dma_start3A_253 = arith.constant 160 : i32
        %dma_start3A_254 = arith.constant 0 : i32
        %dma_start3A_255 = tpu.memref_slice %arg13[%dma_start3A_253, %dma_start3A_254] : memref<200x32xf32, #tpu.memory_space<vmem>> -> memref<40x32xf32, #tpu.memory_space<vmem>>
        %dma_start3A_256 = arith.constant 160 : i32
        %dma_start3A_257 = tpu.memref_slice %arg7[%dma_start3A_256] : memref<200xi32, #tpu.memory_space<vmem>> -> memref<40xi32, #tpu.memory_space<vmem>>
        %dma_start3A_258 = arith.constant 0 : i32
        %dma_start3A_259 = arith.constant 0 : i32
        %dma_start3A_260 = tpu.memref_slice %arg3[%dma_start3A_258, %dma_start3A_259] : memref<10000x32xf32, #tpu.memory_space<hbm>> -> memref<10000x32xf32, #tpu.memory_space<hbm>>
        tpu.enqueue_indirect_dma source(%dma_start3A_260 : memref<10000x32xf32, #tpu.memory_space<hbm>>) target(%dma_start3A_255 : memref<40x32xf32, #tpu.memory_space<vmem>>) offsets(%dma_start3A_257 : memref<40xi32, #tpu.memory_space<vmem>>) semaphore(%arg17 : memref<!tpu.dma_semaphore, #tpu.memory_space<semaphore_mem>>)
      } else {
      }
      %add3A_160 = arith.constant 2 : i32
      %add3A_161 = arith.addi %add3A_140, %add3A_160 : i32
      %lt3A_162 = arith.constant 50 : i32
      %lt3A_163 = arith.cmpi slt, %add3A_161, %lt3A_162 : i32
      %convert_element_type3A_164 = arith.extui %lt3A_163 : i1 to i32
      %cond3A_165 = arith.constant 0 : i32
      %cond3A_166 = arith.cmpi ne, %convert_element_type3A_164, %cond3A_165 : i32
      scf.if %cond3A_166 {
        %add3A_173 = arith.constant 2 : i32
        %add3A_174 = arith.addi %add3A_140, %add3A_173 : i32
        %mul3A_175 = arith.constant 200 : i32
        %mul3A_176 = arith.muli %add3A_174, %mul3A_175 : i32
        %add3A_177 = arith.addi %mul3A_2, %mul3A_176 : i32
        %dma_start3A_178 = tpu.memref_slice %arg4[%add3A_177] : memref<320000xi32, #tpu.memory_space<hbm>> -> memref<200xi32, #tpu.memory_space<hbm>>
        %dma_start3A_179 = tpu.memref_slice %arg4[%add3A_177] : memref<320000xi32, #tpu.memory_space<hbm>> -> memref<200xi32, #tpu.memory_space<hbm>>
        tpu.enqueue_dma source(%dma_start3A_179 : memref<200xi32, #tpu.memory_space<hbm>>) target(%arg8 : memref<200xi32, #tpu.memory_space<vmem>>) target_semaphore(%arg16 : memref<!tpu.dma_semaphore, #tpu.memory_space<semaphore_mem>>)
        %dma_start3A_180 = tpu.memref_slice %arg5[%add3A_177] : memref<320000xi32, #tpu.memory_space<hbm>> -> memref<200xi32, #tpu.memory_space<hbm>>
        %dma_start3A_181 = tpu.memref_slice %arg5[%add3A_177] : memref<320000xi32, #tpu.memory_space<hbm>> -> memref<200xi32, #tpu.memory_space<hbm>>
        tpu.enqueue_dma source(%dma_start3A_181 : memref<200xi32, #tpu.memory_space<hbm>>) target(%arg10 : memref<200xi32, #tpu.memory_space<vmem>>) target_semaphore(%arg16 : memref<!tpu.dma_semaphore, #tpu.memory_space<semaphore_mem>>)
      } else {
      }
      %parallel_loop3A_167 = arith.constant 0 : i32
      %parallel_loop3A_168 = arith.constant 200 : i32
      %parallel_loop3A_169 = arith.constant 1 : i32
      scf.for %parallel_loop3A_173 = %parallel_loop3A_167 to %parallel_loop3A_168 step %parallel_loop3A_169  : i32 {
        %parallel_loop3A_174 = arith.index_cast %parallel_loop3A_173 : i32 to index
        %parallel_loop3A_175 = arith.constant 0 : index
        %parallel_loop3A_176 = tpu.vector_load %arg12[%parallel_loop3A_174, %parallel_loop3A_175] {strides = array<i32>} : memref<200x32xf32, #tpu.memory_space<vmem>>, vector<16xf32>,
        %parallel_loop3A_177 = arith.index_cast %parallel_loop3A_173 : i32 to index
        %parallel_loop3A_178 = arith.constant 0 : index
        %parallel_loop3A_179 = tpu.vector_load %arg14[%parallel_loop3A_177, %parallel_loop3A_178] {strides = array<i32>} : memref<200x32xf32, #tpu.memory_space<vmem>>, vector<16xf32>,
        %parallel_loop3A_180 = arith.addf %parallel_loop3A_176, %parallel_loop3A_179 : vector<16xf32>
        %parallel_loop3A_181 = arith.index_cast %parallel_loop3A_173 : i32 to index
        %parallel_loop3A_182 = arith.constant 0 : index
        %parallel_loop3A_183 = tpu.vector_load %arg12[%parallel_loop3A_181, %parallel_loop3A_182] {strides = array<i32>} : memref<200x32xf32, #tpu.memory_space<vmem>>, vector<16xf32>,
        tpu.vector_store %arg12[%parallel_loop3A_181, %parallel_loop3A_182], %parallel_loop3A_180 {strides = array<i32>} : memref<200x32xf32, #tpu.memory_space<vmem>>, vector<16xf32>,
        %parallel_loop3A_184 = arith.index_cast %parallel_loop3A_173 : i32 to index
        %parallel_loop3A_185 = arith.constant 16 : index
        %parallel_loop3A_186 = tpu.vector_load %arg12[%parallel_loop3A_184, %parallel_loop3A_185] {strides = array<i32>} : memref<200x32xf32, #tpu.memory_space<vmem>>, vector<16xf32>,
        %parallel_loop3A_187 = arith.index_cast %parallel_loop3A_173 : i32 to index
        %parallel_loop3A_188 = arith.constant 16 : index
        %parallel_loop3A_189 = tpu.vector_load %arg14[%parallel_loop3A_187, %parallel_loop3A_188] {strides = array<i32>} : memref<200x32xf32, #tpu.memory_space<vmem>>, vector<16xf32>,
        %parallel_loop3A_190 = arith.addf %parallel_loop3A_186, %parallel_loop3A_189 : vector<16xf32>
        %parallel_loop3A_191 = arith.index_cast %parallel_loop3A_173 : i32 to index
        %parallel_loop3A_192 = arith.constant 16 : index
        %parallel_loop3A_193 = tpu.vector_load %arg12[%parallel_loop3A_191, %parallel_loop3A_192] {strides = array<i32>} : memref<200x32xf32, #tpu.memory_space<vmem>>, vector<16xf32>,
        tpu.vector_store %arg12[%parallel_loop3A_191, %parallel_loop3A_192], %parallel_loop3A_190 {strides = array<i32>} : memref<200x32xf32, #tpu.memory_space<vmem>>, vector<16xf32>,
      } {sc.loop_unroll_factor = 4 : i64, sc.parallel_access}
      %mul3A_170 = arith.constant 200 : i32
      %mul3A_171 = arith.muli %add3A_140, %mul3A_170 : i32
      %add3A_172 = arith.addi %mul3A_2, %mul3A_171 : i32
      "tpu.region"() ({
        %run_scoped3A = tpu.sem_alloc : memref<!tpu.dma_semaphore, #tpu.memory_space<semaphore_mem>>
        %dma_start3A_173 = arith.constant 0 : i32
        %dma_start3A_174 = tpu.memref_slice %arg6[%add3A_172, %dma_start3A_173] : memref<320000x32xf32, #tpu.memory_space<hbm>> -> memref<200x32xf32, #tpu.memory_space<hbm>>
        %dma_start3A_175 = arith.constant 0 : i32
        %dma_start3A_176 = tpu.memref_slice %arg6[%add3A_172, %dma_start3A_175] : memref<320000x32xf32, #tpu.memory_space<hbm>> -> memref<200x32xf32, #tpu.memory_space<hbm>>
        tpu.enqueue_dma source(%arg12 : memref<200x32xf32, #tpu.memory_space<vmem>>) target(%dma_start3A_176 : memref<200x32xf32, #tpu.memory_space<hbm>>) target_semaphore(%run_scoped3A : memref<!tpu.dma_semaphore, #tpu.memory_space<semaphore_mem>>)
        %dma_wait3A_177 = arith.constant 0 : i32
        %dma_wait3A_178 = tpu.memref_slice %arg6[%add3A_172, %dma_wait3A_177] : memref<320000x32xf32, #tpu.memory_space<hbm>> -> memref<200x32xf32, #tpu.memory_space<hbm>>
        %dma_wait3A_179 = arith.constant 0 : i32
        %dma_wait3A_180 = tpu.memref_slice %arg6[%add3A_172, %dma_wait3A_179] : memref<320000x32xf32, #tpu.memory_space<hbm>> -> memref<200x32xf32, #tpu.memory_space<hbm>>
        tpu.wait_dma2 semaphore(%run_scoped3A : memref<!tpu.dma_semaphore, #tpu.memory_space<semaphore_mem>>) src(%arg12 : memref<200x32xf32, #tpu.memory_space<vmem>>) dst(%dma_wait3A_180 : memref<200x32xf32, #tpu.memory_space<hbm>>)
        tpu.yield
      }) : () -> ()
    }
    %scan3A_105 = arith.constant 25 : i32
    return
  }
}

#map = affine_map<(d0, d1) -> (0, 0)>
#map1 = affine_map<(d0, d1) -> (0)>
module attributes {stable_mosaic.version = 14 : i64} {
  func.func @_k4(%arg0: i32, %arg1: i32, %arg2: memref<16x320000xi32, #tpu.memory_space<hbm>>, %arg3: memref<320000xi32, #tpu.memory_space<hbm>>, %arg4: memref<32x10000xi32, #tpu.memory_space<hbm>>, %arg5: memref<1600xi32, #tpu.memory_space<vmem>>, %arg6: memref<1600xi32, #tpu.memory_space<vmem>>, %arg7: memref<1600xi32, #tpu.memory_space<vmem>>, %arg8: memref<1600xi32, #tpu.memory_space<vmem>>, %arg9: memref<80000xi32, #tpu.memory_space<vmem>>, %arg10: memref<!tpu.dma_semaphore, #tpu.memory_space<semaphore_mem>>, %arg11: memref<!tpu.dma_semaphore, #tpu.memory_space<semaphore_mem>>) attributes {dimension_semantics = [#tpu.dimension_semantics<core_parallel>, #tpu.dimension_semantics<subcore_parallel>], iteration_bounds = array<i64: 2, 16>, scalar_prefetch = 0 : i64, scratch_operands = 7 : i64, tpu.core_type = #tpu.core_type<sc_vector_subcore>, window_params = [{transform_indices = #map}, {transform_indices = #map1}, {transform_indices = #map}]} {
    %mul3A = arith.constant 2 : i32
    %mul3A_0 = arith.muli %arg1, %mul3A : i32
    %add3A = arith.addi %mul3A_0, %arg0 : i32
    %and3A = arith.constant 15 : i32
    %and3A_1 = arith.andi %add3A, %and3A : i32
    %shift_right_arithmetic3A = arith.constant 4 : i32
    %shift_right_arithmetic3A_2 = arith.shrsi %add3A, %shift_right_arithmetic3A : i32
    %mul3A_3 = arith.constant 160000 : i32
    %mul3A_4 = arith.muli %shift_right_arithmetic3A_2, %mul3A_3 : i32
    %iota3A = tpu.iota {dimensions = array<i32: 0>} : vector<16xi32>
    %and3A_5 = arith.constant 7 : i32
    %and3A_6 = vector.broadcast %and3A_5 : i32 to vector<16xi32>
    %and3A_7 = arith.andi %iota3A, %and3A_6 : vector<16xi32>
    %mul3A_8 = arith.constant 10000 : i32
    %mul3A_9 = vector.broadcast %mul3A_8 : i32 to vector<16xi32>
    %mul3A_10 = arith.muli %and3A_7, %mul3A_9 : vector<16xi32>
    %broadcast_in_dim3A = arith.constant -8323200 : i32
    %broadcast_in_dim3A_11 = vector.broadcast %broadcast_in_dim3A : i32 to vector<16xi32>
    %broadcast_in_dim3A_12 = arith.constant 0.000000e+00 : f32
    %broadcast_in_dim3A_13 = vector.broadcast %broadcast_in_dim3A_12 : f32 to vector<16xf32>
    %scan3A = arith.constant 0 : i32
    %scan3A_14 = arith.constant 0 : i32
    %scan3A_15 = arith.constant 5000 : i32
    %scan3A_16 = arith.addi %scan3A_14, %scan3A_15 : i32
    %scan3A_17 = arith.constant 1 : i32
    scf.for %scan3A_40 = %scan3A_14 to %scan3A_16 step %scan3A_17  : i32 {
      %mul3A_41 = arith.constant 16 : i32
      %mul3A_42 = arith.muli %scan3A_40, %mul3A_41 : i32
      %swap3A = arith.index_cast %mul3A_42 : i32 to index
      %swap3A_43 = tpu.vector_load %arg9[%swap3A] {strides = array<i32>} : memref<80000xi32, #tpu.memory_space<vmem>>, vector<16xi32>,
      tpu.vector_store %arg9[%swap3A], %broadcast_in_dim3A_11 {strides = array<i32>} : memref<80000xi32, #tpu.memory_space<vmem>>, vector<16xi32>,
    }
    %scan3A_18 = arith.constant 5000 : i32
    %add3A_19 = arith.constant 0 : i32
    %add3A_20 = arith.addi %mul3A_4, %add3A_19 : i32
    %dma_start3A = tpu.memref_slice %arg3[%add3A_20] : memref<320000xi32, #tpu.memory_space<hbm>> -> memref<1600xi32, #tpu.memory_space<hbm>>
    %dma_start3A_21 = tpu.memref_slice %arg3[%add3A_20] : memref<320000xi32, #tpu.memory_space<hbm>> -> memref<1600xi32, #tpu.memory_space<hbm>>
    tpu.enqueue_dma source(%dma_start3A_21 : memref<1600xi32, #tpu.memory_space<hbm>>) target(%arg5 : memref<1600xi32, #tpu.memory_space<vmem>>) target_semaphore(%arg10 : memref<!tpu.dma_semaphore, #tpu.memory_space<semaphore_mem>>)
    %add3A_22 = arith.constant 0 : i32
    %add3A_23 = arith.addi %mul3A_4, %add3A_22 : i32
    %dma_start3A_24 = tpu.memref_slice %arg2[%and3A_1, %add3A_23] : memref<16x320000xi32, #tpu.memory_space<hbm>> -> memref<1x1600xi32, #tpu.memory_space<hbm>>
    %dma_start3A_25 = tpu.memref_squeeze %dma_start3A_24 : memref<1x1600xi32, #tpu.memory_space<hbm>> -> memref<1600xi32, #tpu.memory_space<hbm>>
    %dma_start3A_26 = tpu.memref_slice %arg2[%and3A_1, %add3A_23] : memref<16x320000xi32, #tpu.memory_space<hbm>> -> memref<1x1600xi32, #tpu.memory_space<hbm>>
    %dma_start3A_27 = tpu.memref_squeeze %dma_start3A_26 : memref<1x1600xi32, #tpu.memory_space<hbm>> -> memref<1600xi32, #tpu.memory_space<hbm>>
    tpu.enqueue_dma source(%dma_start3A_27 : memref<1600xi32, #tpu.memory_space<hbm>>) target(%arg7 : memref<1600xi32, #tpu.memory_space<vmem>>) target_semaphore(%arg10 : memref<!tpu.dma_semaphore, #tpu.memory_space<semaphore_mem>>)
    %scan3A_28 = arith.constant 0 : i32
    %scan3A_29 = arith.constant 0 : i32
    %scan3A_30 = arith.constant 50 : i32
    %scan3A_31 = arith.addi %scan3A_29, %scan3A_30 : i32
    %scan3A_32 = arith.constant 1 : i32
    scf.for %scan3A_40 = %scan3A_29 to %scan3A_31 step %scan3A_32  : i32 {
      %mul3A_41 = arith.constant 2 : i32
      %mul3A_42 = arith.muli %mul3A_41, %scan3A_40 : i32
      %add3A_43 = arith.constant 1 : i32
      %add3A_44 = arith.addi %mul3A_42, %add3A_43 : i32
      %lt3A = arith.constant 100 : i32
      %lt3A_45 = arith.cmpi slt, %add3A_44, %lt3A : i32
      %convert_element_type3A = arith.extui %lt3A_45 : i1 to i32
      %cond3A = arith.constant 0 : i32
      %cond3A_46 = arith.cmpi ne, %convert_element_type3A, %cond3A : i32
      scf.if %cond3A_46 {
        %add3A_81 = arith.constant 1 : i32
        %add3A_82 = arith.addi %mul3A_42, %add3A_81 : i32
        %mul3A_83 = arith.constant 1600 : i32
        %mul3A_84 = arith.muli %add3A_82, %mul3A_83 : i32
        %add3A_85 = arith.addi %mul3A_4, %mul3A_84 : i32
        %dma_start3A_86 = tpu.memref_slice %arg3[%add3A_85] : memref<320000xi32, #tpu.memory_space<hbm>> -> memref<1600xi32, #tpu.memory_space<hbm>>
        %dma_start3A_87 = tpu.memref_slice %arg3[%add3A_85] : memref<320000xi32, #tpu.memory_space<hbm>> -> memref<1600xi32, #tpu.memory_space<hbm>>
        tpu.enqueue_dma source(%dma_start3A_87 : memref<1600xi32, #tpu.memory_space<hbm>>) target(%arg6 : memref<1600xi32, #tpu.memory_space<vmem>>) target_semaphore(%arg11 : memref<!tpu.dma_semaphore, #tpu.memory_space<semaphore_mem>>)
        %mul3A_88 = arith.constant 1600 : i32
        %mul3A_89 = arith.muli %add3A_82, %mul3A_88 : i32
        %add3A_90 = arith.addi %mul3A_4, %mul3A_89 : i32
        %dma_start3A_91 = tpu.memref_slice %arg2[%and3A_1, %add3A_90] : memref<16x320000xi32, #tpu.memory_space<hbm>> -> memref<1x1600xi32, #tpu.memory_space<hbm>>
        %dma_start3A_92 = tpu.memref_squeeze %dma_start3A_91 : memref<1x1600xi32, #tpu.memory_space<hbm>> -> memref<1600xi32, #tpu.memory_space<hbm>>
        %dma_start3A_93 = tpu.memref_slice %arg2[%and3A_1, %add3A_90] : memref<16x320000xi32, #tpu.memory_space<hbm>> -> memref<1x1600xi32, #tpu.memory_space<hbm>>
        %dma_start3A_94 = tpu.memref_squeeze %dma_start3A_93 : memref<1x1600xi32, #tpu.memory_space<hbm>> -> memref<1600xi32, #tpu.memory_space<hbm>>
        tpu.enqueue_dma source(%dma_start3A_94 : memref<1600xi32, #tpu.memory_space<hbm>>) target(%arg8 : memref<1600xi32, #tpu.memory_space<vmem>>) target_semaphore(%arg11 : memref<!tpu.dma_semaphore, #tpu.memory_space<semaphore_mem>>)
      } else {
      }
      %dma_wait3A = arith.constant 0 : i32
      %dma_wait3A_47 = tpu.memref_slice %arg3[%dma_wait3A] : memref<320000xi32, #tpu.memory_space<hbm>> -> memref<1600xi32, #tpu.memory_space<hbm>>
      %dma_wait3A_48 = arith.constant 0 : i32
      %dma_wait3A_49 = tpu.memref_slice %arg3[%dma_wait3A_48] : memref<320000xi32, #tpu.memory_space<hbm>> -> memref<1600xi32, #tpu.memory_space<hbm>>
      tpu.wait_dma2 semaphore(%arg10 : memref<!tpu.dma_semaphore, #tpu.memory_space<semaphore_mem>>) src(%dma_wait3A_49 : memref<1600xi32, #tpu.memory_space<hbm>>) dst(%arg5 : memref<1600xi32, #tpu.memory_space<vmem>>)
      %dma_wait3A_50 = arith.constant 0 : i32
      %dma_wait3A_51 = tpu.memref_slice %arg3[%dma_wait3A_50] : memref<320000xi32, #tpu.memory_space<hbm>> -> memref<1600xi32, #tpu.memory_space<hbm>>
      %dma_wait3A_52 = arith.constant 0 : i32
      %dma_wait3A_53 = tpu.memref_slice %arg3[%dma_wait3A_52] : memref<320000xi32, #tpu.memory_space<hbm>> -> memref<1600xi32, #tpu.memory_space<hbm>>
      tpu.wait_dma2 semaphore(%arg10 : memref<!tpu.dma_semaphore, #tpu.memory_space<semaphore_mem>>) src(%dma_wait3A_53 : memref<1600xi32, #tpu.memory_space<hbm>>) dst(%arg7 : memref<1600xi32, #tpu.memory_space<vmem>>)
      %parallel_loop3A = arith.constant 0 : i32
      %parallel_loop3A_54 = arith.constant 100 : i32
      %parallel_loop3A_55 = arith.constant 1 : i32
      scf.for %parallel_loop3A_81 = %parallel_loop3A to %parallel_loop3A_54 step %parallel_loop3A_55  : i32 {
        %parallel_loop3A_82 = arith.constant 16 : i32
        %parallel_loop3A_83 = arith.muli %parallel_loop3A_81, %parallel_loop3A_82 : i32
        %parallel_loop3A_84 = arith.index_cast %parallel_loop3A_83 : i32 to index
        %parallel_loop3A_85 = tpu.vector_load %arg5[%parallel_loop3A_84] {strides = array<i32>} : memref<1600xi32, #tpu.memory_space<vmem>>, vector<16xi32>,
        %parallel_loop3A_86 = arith.constant 16 : i32
        %parallel_loop3A_87 = arith.muli %parallel_loop3A_81, %parallel_loop3A_86 : i32
        %parallel_loop3A_88 = arith.index_cast %parallel_loop3A_87 : i32 to index
        %parallel_loop3A_89 = tpu.vector_load %arg7[%parallel_loop3A_88] {strides = array<i32>} : memref<1600xi32, #tpu.memory_space<vmem>>, vector<16xi32>,
        %parallel_loop3A_90 = arith.addi %parallel_loop3A_85, %mul3A_10 : vector<16xi32>
        %parallel_loop3A_91 = tpu.vector_load_idx %arg9[%parallel_loop3A_90] : memref<80000xi32, #tpu.memory_space<vmem>>[vector<16xi32>], vector<16xi32>,
        %parallel_loop3A_92 = vector.bitcast %parallel_loop3A_91 : vector<16xi32> to vector<32xbf16>
        %parallel_loop3A_93 = vector.bitcast %parallel_loop3A_89 : vector<16xi32> to vector<32xbf16>
        %parallel_loop3A_94 = arith.maximumf %parallel_loop3A_92, %parallel_loop3A_93 : vector<32xbf16>
        %parallel_loop3A_95 = vector.bitcast %parallel_loop3A_94 : vector<32xbf16> to vector<16xi32>
        tpu.vector_store_idx %arg9[%parallel_loop3A_90], %parallel_loop3A_95 : memref<80000xi32, #tpu.memory_space<vmem>>[vector<16xi32>], vector<16xi32>,
      } {sc.loop_unroll_factor = 8 : i64, sc.parallel_access}
      %while3A = arith.constant true
      %while3A_56 = scf.while (%while3A_81 = %while3A) : (i1) -> i1 {
        scf.condition(%while3A_81) %while3A_81 : i1
      } do {
      ^bb0(%while3A_81: i1):
        %parallel_loop3A_82 = arith.constant 0 : i32
        %parallel_loop3A_83 = arith.constant 100 : i32
        %parallel_loop3A_84 = arith.constant 1 : i32
        %parallel_loop3A_85 = scf.for %parallel_loop3A_90 = %parallel_loop3A_82 to %parallel_loop3A_83 step %parallel_loop3A_84 iter_args(%parallel_loop3A_91 = %broadcast_in_dim3A_13) -> (vector<16xf32>)  : i32 {
          %parallel_loop3A_92 = arith.constant 16 : i32
          %parallel_loop3A_93 = arith.muli %parallel_loop3A_90, %parallel_loop3A_92 : i32
          %parallel_loop3A_94 = arith.index_cast %parallel_loop3A_93 : i32 to index
          %parallel_loop3A_95 = tpu.vector_load %arg5[%parallel_loop3A_94] {strides = array<i32>} : memref<1600xi32, #tpu.memory_space<vmem>>, vector<16xi32>,
          %parallel_loop3A_96 = arith.constant 16 : i32
          %parallel_loop3A_97 = arith.muli %parallel_loop3A_90, %parallel_loop3A_96 : i32
          %parallel_loop3A_98 = arith.index_cast %parallel_loop3A_97 : i32 to index
          %parallel_loop3A_99 = tpu.vector_load %arg7[%parallel_loop3A_98] {strides = array<i32>} : memref<1600xi32, #tpu.memory_space<vmem>>, vector<16xi32>,
          %parallel_loop3A_100 = arith.addi %parallel_loop3A_95, %mul3A_10 : vector<16xi32>
          %parallel_loop3A_101 = tpu.vector_load_idx %arg9[%parallel_loop3A_100] : memref<80000xi32, #tpu.memory_space<vmem>>[vector<16xi32>], vector<16xi32>,
          %parallel_loop3A_102 = vector.bitcast %parallel_loop3A_101 : vector<16xi32> to vector<32xbf16>
          %parallel_loop3A_103 = vector.bitcast %parallel_loop3A_99 : vector<16xi32> to vector<32xbf16>
          %parallel_loop3A_104 = arith.maximumf %parallel_loop3A_102, %parallel_loop3A_103 : vector<32xbf16>
          %parallel_loop3A_105 = vector.bitcast %parallel_loop3A_104 : vector<32xbf16> to vector<16xi32>
          %parallel_loop3A_106 = arith.cmpi ne, %parallel_loop3A_105, %parallel_loop3A_101 : vector<16xi32>
          tpu.vector_store_idx %arg9[%parallel_loop3A_100], %parallel_loop3A_105 masked %parallel_loop3A_106 : memref<80000xi32, #tpu.memory_space<vmem>>[vector<16xi32>], vector<16xi32>, vector<16xi1>
          %parallel_loop3A_107 = arith.constant 1.000000e+00 : f32
          %parallel_loop3A_108 = arith.constant 0.000000e+00 : f32
          %parallel_loop3A_109 = vector.broadcast %parallel_loop3A_107 : f32 to vector<16xf32>
          %parallel_loop3A_110 = vector.broadcast %parallel_loop3A_108 : f32 to vector<16xf32>
          %parallel_loop3A_111 = arith.select %parallel_loop3A_106, %parallel_loop3A_109, %parallel_loop3A_110 : vector<16xi1>, vector<16xf32>
          %parallel_loop3A_112 = arith.maximumf %parallel_loop3A_91, %parallel_loop3A_111 : vector<16xf32>
          scf.yield %parallel_loop3A_112 : vector<16xf32>
        } {sc.loop_unroll_factor = 8 : i64, sc.parallel_access}
        %reduce_max3A = arith.constant true
        %reduce_max3A_86 = vector.broadcast %reduce_max3A : i1 to vector<16xi1>
        %reduce_max3A_87 = tpu.scan <max>, %parallel_loop3A_85 masked %reduce_max3A_86 : vector<16xf32>, vector<16xi1> -> vector<16xf32>
        %reduce_max3A_88 = vector.extract %reduce_max3A_87[15] : f32 from vector<16xf32>
        %gt3A = arith.constant 0.000000e+00 : f32
        %gt3A_89 = arith.cmpf ogt, %reduce_max3A_88, %gt3A : f32
        scf.yield %gt3A_89 : i1
      }
      %mul3A_57 = arith.constant 2 : i32
      %mul3A_58 = arith.muli %mul3A_57, %scan3A_40 : i32
      %add3A_59 = arith.constant 1 : i32
      %add3A_60 = arith.addi %mul3A_58, %add3A_59 : i32
      %add3A_61 = arith.constant 1 : i32
      %add3A_62 = arith.addi %add3A_60, %add3A_61 : i32
      %lt3A_63 = arith.constant 100 : i32
      %lt3A_64 = arith.cmpi slt, %add3A_62, %lt3A_63 : i32
      %convert_element_type3A_65 = arith.extui %lt3A_64 : i1 to i32
      %cond3A_66 = arith.constant 0 : i32
      %cond3A_67 = arith.cmpi ne, %convert_element_type3A_65, %cond3A_66 : i32
      scf.if %cond3A_67 {
        %add3A_81 = arith.constant 1 : i32
        %add3A_82 = arith.addi %add3A_60, %add3A_81 : i32
        %mul3A_83 = arith.constant 1600 : i32
        %mul3A_84 = arith.muli %add3A_82, %mul3A_83 : i32
        %add3A_85 = arith.addi %mul3A_4, %mul3A_84 : i32
        %dma_start3A_86 = tpu.memref_slice %arg3[%add3A_85] : memref<320000xi32, #tpu.memory_space<hbm>> -> memref<1600xi32, #tpu.memory_space<hbm>>
        %dma_start3A_87 = tpu.memref_slice %arg3[%add3A_85] : memref<320000xi32, #tpu.memory_space<hbm>> -> memref<1600xi32, #tpu.memory_space<hbm>>
        tpu.enqueue_dma source(%dma_start3A_87 : memref<1600xi32, #tpu.memory_space<hbm>>) target(%arg5 : memref<1600xi32, #tpu.memory_space<vmem>>) target_semaphore(%arg10 : memref<!tpu.dma_semaphore, #tpu.memory_space<semaphore_mem>>)
        %mul3A_88 = arith.constant 1600 : i32
        %mul3A_89 = arith.muli %add3A_82, %mul3A_88 : i32
        %add3A_90 = arith.addi %mul3A_4, %mul3A_89 : i32
        %dma_start3A_91 = tpu.memref_slice %arg2[%and3A_1, %add3A_90] : memref<16x320000xi32, #tpu.memory_space<hbm>> -> memref<1x1600xi32, #tpu.memory_space<hbm>>
        %dma_start3A_92 = tpu.memref_squeeze %dma_start3A_91 : memref<1x1600xi32, #tpu.memory_space<hbm>> -> memref<1600xi32, #tpu.memory_space<hbm>>
        %dma_start3A_93 = tpu.memref_slice %arg2[%and3A_1, %add3A_90] : memref<16x320000xi32, #tpu.memory_space<hbm>> -> memref<1x1600xi32, #tpu.memory_space<hbm>>
        %dma_start3A_94 = tpu.memref_squeeze %dma_start3A_93 : memref<1x1600xi32, #tpu.memory_space<hbm>> -> memref<1600xi32, #tpu.memory_space<hbm>>
        tpu.enqueue_dma source(%dma_start3A_94 : memref<1600xi32, #tpu.memory_space<hbm>>) target(%arg7 : memref<1600xi32, #tpu.memory_space<vmem>>) target_semaphore(%arg10 : memref<!tpu.dma_semaphore, #tpu.memory_space<semaphore_mem>>)
      } else {
      }
      %dma_wait3A_68 = arith.constant 0 : i32
      %dma_wait3A_69 = tpu.memref_slice %arg3[%dma_wait3A_68] : memref<320000xi32, #tpu.memory_space<hbm>> -> memref<1600xi32, #tpu.memory_space<hbm>>
      %dma_wait3A_70 = arith.constant 0 : i32
      %dma_wait3A_71 = tpu.memref_slice %arg3[%dma_wait3A_70] : memref<320000xi32, #tpu.memory_space<hbm>> -> memref<1600xi32, #tpu.memory_space<hbm>>
      tpu.wait_dma2 semaphore(%arg11 : memref<!tpu.dma_semaphore, #tpu.memory_space<semaphore_mem>>) src(%dma_wait3A_71 : memref<1600xi32, #tpu.memory_space<hbm>>) dst(%arg6 : memref<1600xi32, #tpu.memory_space<vmem>>)
      %dma_wait3A_72 = arith.constant 0 : i32
      %dma_wait3A_73 = tpu.memref_slice %arg3[%dma_wait3A_72] : memref<320000xi32, #tpu.memory_space<hbm>> -> memref<1600xi32, #tpu.memory_space<hbm>>
      %dma_wait3A_74 = arith.constant 0 : i32
      %dma_wait3A_75 = tpu.memref_slice %arg3[%dma_wait3A_74] : memref<320000xi32, #tpu.memory_space<hbm>> -> memref<1600xi32, #tpu.memory_space<hbm>>
      tpu.wait_dma2 semaphore(%arg11 : memref<!tpu.dma_semaphore, #tpu.memory_space<semaphore_mem>>) src(%dma_wait3A_75 : memref<1600xi32, #tpu.memory_space<hbm>>) dst(%arg8 : memref<1600xi32, #tpu.memory_space<vmem>>)
      %parallel_loop3A_76 = arith.constant 0 : i32
      %parallel_loop3A_77 = arith.constant 100 : i32
      %parallel_loop3A_78 = arith.constant 1 : i32
      scf.for %parallel_loop3A_81 = %parallel_loop3A_76 to %parallel_loop3A_77 step %parallel_loop3A_78  : i32 {
        %parallel_loop3A_82 = arith.constant 16 : i32
        %parallel_loop3A_83 = arith.muli %parallel_loop3A_81, %parallel_loop3A_82 : i32
        %parallel_loop3A_84 = arith.index_cast %parallel_loop3A_83 : i32 to index
        %parallel_loop3A_85 = tpu.vector_load %arg6[%parallel_loop3A_84] {strides = array<i32>} : memref<1600xi32, #tpu.memory_space<vmem>>, vector<16xi32>,
        %parallel_loop3A_86 = arith.constant 16 : i32
        %parallel_loop3A_87 = arith.muli %parallel_loop3A_81, %parallel_loop3A_86 : i32
        %parallel_loop3A_88 = arith.index_cast %parallel_loop3A_87 : i32 to index
        %parallel_loop3A_89 = tpu.vector_load %arg8[%parallel_loop3A_88] {strides = array<i32>} : memref<1600xi32, #tpu.memory_space<vmem>>, vector<16xi32>,
        %parallel_loop3A_90 = arith.addi %parallel_loop3A_85, %mul3A_10 : vector<16xi32>
        %parallel_loop3A_91 = tpu.vector_load_idx %arg9[%parallel_loop3A_90] : memref<80000xi32, #tpu.memory_space<vmem>>[vector<16xi32>], vector<16xi32>,
        %parallel_loop3A_92 = vector.bitcast %parallel_loop3A_91 : vector<16xi32> to vector<32xbf16>
        %parallel_loop3A_93 = vector.bitcast %parallel_loop3A_89 : vector<16xi32> to vector<32xbf16>
        %parallel_loop3A_94 = arith.maximumf %parallel_loop3A_92, %parallel_loop3A_93 : vector<32xbf16>
        %parallel_loop3A_95 = vector.bitcast %parallel_loop3A_94 : vector<32xbf16> to vector<16xi32>
        tpu.vector_store_idx %arg9[%parallel_loop3A_90], %parallel_loop3A_95 : memref<80000xi32, #tpu.memory_space<vmem>>[vector<16xi32>], vector<16xi32>,
      } {sc.loop_unroll_factor = 8 : i64, sc.parallel_access}
      %while3A_79 = arith.constant true
      %while3A_80 = scf.while (%while3A_81 = %while3A_79) : (i1) -> i1 {
        scf.condition(%while3A_81) %while3A_81 : i1
      } do {
      ^bb0(%while3A_81: i1):
        %parallel_loop3A_82 = arith.constant 0 : i32
        %parallel_loop3A_83 = arith.constant 100 : i32
        %parallel_loop3A_84 = arith.constant 1 : i32
        %parallel_loop3A_85 = scf.for %parallel_loop3A_90 = %parallel_loop3A_82 to %parallel_loop3A_83 step %parallel_loop3A_84 iter_args(%parallel_loop3A_91 = %broadcast_in_dim3A_13) -> (vector<16xf32>)  : i32 {
          %parallel_loop3A_92 = arith.constant 16 : i32
          %parallel_loop3A_93 = arith.muli %parallel_loop3A_90, %parallel_loop3A_92 : i32
          %parallel_loop3A_94 = arith.index_cast %parallel_loop3A_93 : i32 to index
          %parallel_loop3A_95 = tpu.vector_load %arg6[%parallel_loop3A_94] {strides = array<i32>} : memref<1600xi32, #tpu.memory_space<vmem>>, vector<16xi32>,
          %parallel_loop3A_96 = arith.constant 16 : i32
          %parallel_loop3A_97 = arith.muli %parallel_loop3A_90, %parallel_loop3A_96 : i32
          %parallel_loop3A_98 = arith.index_cast %parallel_loop3A_97 : i32 to index
          %parallel_loop3A_99 = tpu.vector_load %arg8[%parallel_loop3A_98] {strides = array<i32>} : memref<1600xi32, #tpu.memory_space<vmem>>, vector<16xi32>,
          %parallel_loop3A_100 = arith.addi %parallel_loop3A_95, %mul3A_10 : vector<16xi32>
          %parallel_loop3A_101 = tpu.vector_load_idx %arg9[%parallel_loop3A_100] : memref<80000xi32, #tpu.memory_space<vmem>>[vector<16xi32>], vector<16xi32>,
          %parallel_loop3A_102 = vector.bitcast %parallel_loop3A_101 : vector<16xi32> to vector<32xbf16>
          %parallel_loop3A_103 = vector.bitcast %parallel_loop3A_99 : vector<16xi32> to vector<32xbf16>
          %parallel_loop3A_104 = arith.maximumf %parallel_loop3A_102, %parallel_loop3A_103 : vector<32xbf16>
          %parallel_loop3A_105 = vector.bitcast %parallel_loop3A_104 : vector<32xbf16> to vector<16xi32>
          %parallel_loop3A_106 = arith.cmpi ne, %parallel_loop3A_105, %parallel_loop3A_101 : vector<16xi32>
          tpu.vector_store_idx %arg9[%parallel_loop3A_100], %parallel_loop3A_105 masked %parallel_loop3A_106 : memref<80000xi32, #tpu.memory_space<vmem>>[vector<16xi32>], vector<16xi32>, vector<16xi1>
          %parallel_loop3A_107 = arith.constant 1.000000e+00 : f32
          %parallel_loop3A_108 = arith.constant 0.000000e+00 : f32
          %parallel_loop3A_109 = vector.broadcast %parallel_loop3A_107 : f32 to vector<16xf32>
          %parallel_loop3A_110 = vector.broadcast %parallel_loop3A_108 : f32 to vector<16xf32>
          %parallel_loop3A_111 = arith.select %parallel_loop3A_106, %parallel_loop3A_109, %parallel_loop3A_110 : vector<16xi1>, vector<16xf32>
          %parallel_loop3A_112 = arith.maximumf %parallel_loop3A_91, %parallel_loop3A_111 : vector<16xf32>
          scf.yield %parallel_loop3A_112 : vector<16xf32>
        } {sc.loop_unroll_factor = 8 : i64, sc.parallel_access}
        %reduce_max3A = arith.constant true
        %reduce_max3A_86 = vector.broadcast %reduce_max3A : i1 to vector<16xi1>
        %reduce_max3A_87 = tpu.scan <max>, %parallel_loop3A_85 masked %reduce_max3A_86 : vector<16xf32>, vector<16xi1> -> vector<16xf32>
        %reduce_max3A_88 = vector.extract %reduce_max3A_87[15] : f32 from vector<16xf32>
        %gt3A = arith.constant 0.000000e+00 : f32
        %gt3A_89 = arith.cmpf ogt, %reduce_max3A_88, %gt3A : f32
        scf.yield %gt3A_89 : i1
      }
    }
    %scan3A_33 = arith.constant 50 : i32
    %scan3A_34 = arith.constant 0 : i32
    %scan3A_35 = arith.constant 0 : i32
    %scan3A_36 = arith.constant 625 : i32
    %scan3A_37 = arith.addi %scan3A_35, %scan3A_36 : i32
    %scan3A_38 = arith.constant 1 : i32
    scf.for %scan3A_40 = %scan3A_35 to %scan3A_37 step %scan3A_38  : i32 {
      %mul3A_41 = arith.constant 16 : i32
      %mul3A_42 = arith.muli %scan3A_40, %mul3A_41 : i32
      %get3A = arith.index_cast %mul3A_42 : i32 to index
      %get3A_43 = tpu.vector_load %arg9[%get3A] {strides = array<i32>} : memref<80000xi32, #tpu.memory_space<vmem>>, vector<16xi32>,
      %bitcast3A = vector.bitcast %get3A_43 : vector<16xi32> to vector<32xbf16>
      %mul3A_44 = arith.constant 16 : i32
      %mul3A_45 = arith.muli %scan3A_40, %mul3A_44 : i32
      %add3A_46 = arith.constant 10000 : i32
      %add3A_47 = arith.addi %add3A_46, %mul3A_45 : i32
      %get3A_48 = arith.index_cast %add3A_47 : i32 to index
      %get3A_49 = tpu.vector_load %arg9[%get3A_48] {strides = array<i32>} : memref<80000xi32, #tpu.memory_space<vmem>>, vector<16xi32>,
      %bitcast3A_50 = vector.bitcast %get3A_49 : vector<16xi32> to vector<32xbf16>
      %max3A = arith.maximumf %bitcast3A, %bitcast3A_50 : vector<32xbf16>
      %mul3A_51 = arith.constant 16 : i32
      %mul3A_52 = arith.muli %scan3A_40, %mul3A_51 : i32
      %add3A_53 = arith.constant 20000 : i32
      %add3A_54 = arith.addi %add3A_53, %mul3A_52 : i32
      %get3A_55 = arith.index_cast %add3A_54 : i32 to index
      %get3A_56 = tpu.vector_load %arg9[%get3A_55] {strides = array<i32>} : memref<80000xi32, #tpu.memory_space<vmem>>, vector<16xi32>,
      %bitcast3A_57 = vector.bitcast %get3A_56 : vector<16xi32> to vector<32xbf16>
      %max3A_58 = arith.maximumf %max3A, %bitcast3A_57 : vector<32xbf16>
      %mul3A_59 = arith.constant 16 : i32
      %mul3A_60 = arith.muli %scan3A_40, %mul3A_59 : i32
      %add3A_61 = arith.constant 30000 : i32
      %add3A_62 = arith.addi %add3A_61, %mul3A_60 : i32
      %get3A_63 = arith.index_cast %add3A_62 : i32 to index
      %get3A_64 = tpu.vector_load %arg9[%get3A_63] {strides = array<i32>} : memref<80000xi32, #tpu.memory_space<vmem>>, vector<16xi32>,
      %bitcast3A_65 = vector.bitcast %get3A_64 : vector<16xi32> to vector<32xbf16>
      %max3A_66 = arith.maximumf %max3A_58, %bitcast3A_65 : vector<32xbf16>
      %mul3A_67 = arith.constant 16 : i32
      %mul3A_68 = arith.muli %scan3A_40, %mul3A_67 : i32
      %add3A_69 = arith.constant 40000 : i32
      %add3A_70 = arith.addi %add3A_69, %mul3A_68 : i32
      %get3A_71 = arith.index_cast %add3A_70 : i32 to index
      %get3A_72 = tpu.vector_load %arg9[%get3A_71] {strides = array<i32>} : memref<80000xi32, #tpu.memory_space<vmem>>, vector<16xi32>,
      %bitcast3A_73 = vector.bitcast %get3A_72 : vector<16xi32> to vector<32xbf16>
      %max3A_74 = arith.maximumf %max3A_66, %bitcast3A_73 : vector<32xbf16>
      %mul3A_75 = arith.constant 16 : i32
      %mul3A_76 = arith.muli %scan3A_40, %mul3A_75 : i32
      %add3A_77 = arith.constant 50000 : i32
      %add3A_78 = arith.addi %add3A_77, %mul3A_76 : i32
      %get3A_79 = arith.index_cast %add3A_78 : i32 to index
      %get3A_80 = tpu.vector_load %arg9[%get3A_79] {strides = array<i32>} : memref<80000xi32, #tpu.memory_space<vmem>>, vector<16xi32>,
      %bitcast3A_81 = vector.bitcast %get3A_80 : vector<16xi32> to vector<32xbf16>
      %max3A_82 = arith.maximumf %max3A_74, %bitcast3A_81 : vector<32xbf16>
      %mul3A_83 = arith.constant 16 : i32
      %mul3A_84 = arith.muli %scan3A_40, %mul3A_83 : i32
      %add3A_85 = arith.constant 60000 : i32
      %add3A_86 = arith.addi %add3A_85, %mul3A_84 : i32
      %get3A_87 = arith.index_cast %add3A_86 : i32 to index
      %get3A_88 = tpu.vector_load %arg9[%get3A_87] {strides = array<i32>} : memref<80000xi32, #tpu.memory_space<vmem>>, vector<16xi32>,
      %bitcast3A_89 = vector.bitcast %get3A_88 : vector<16xi32> to vector<32xbf16>
      %max3A_90 = arith.maximumf %max3A_82, %bitcast3A_89 : vector<32xbf16>
      %mul3A_91 = arith.constant 16 : i32
      %mul3A_92 = arith.muli %scan3A_40, %mul3A_91 : i32
      %add3A_93 = arith.constant 70000 : i32
      %add3A_94 = arith.addi %add3A_93, %mul3A_92 : i32
      %get3A_95 = arith.index_cast %add3A_94 : i32 to index
      %get3A_96 = tpu.vector_load %arg9[%get3A_95] {strides = array<i32>} : memref<80000xi32, #tpu.memory_space<vmem>>, vector<16xi32>,
      %bitcast3A_97 = vector.bitcast %get3A_96 : vector<16xi32> to vector<32xbf16>
      %max3A_98 = arith.maximumf %max3A_90, %bitcast3A_97 : vector<32xbf16>
      %bitcast3A_99 = vector.bitcast %max3A_98 : vector<32xbf16> to vector<16xi32>
      %mul3A_100 = arith.constant 16 : i32
      %mul3A_101 = arith.muli %scan3A_40, %mul3A_100 : i32
      %swap3A = arith.index_cast %mul3A_101 : i32 to index
      %swap3A_102 = tpu.vector_load %arg9[%swap3A] {strides = array<i32>} : memref<80000xi32, #tpu.memory_space<vmem>>, vector<16xi32>,
      tpu.vector_store %arg9[%swap3A], %bitcast3A_99 {strides = array<i32>} : memref<80000xi32, #tpu.memory_space<vmem>>, vector<16xi32>,
    }
    %scan3A_39 = arith.constant 625 : i32
    "tpu.region"() ({
      %run_scoped3A = tpu.sem_alloc : memref<!tpu.dma_semaphore, #tpu.memory_space<semaphore_mem>>
      %dma_start3A_40 = arith.constant 0 : i32
      %dma_start3A_41 = tpu.memref_slice %arg9[%dma_start3A_40] : memref<80000xi32, #tpu.memory_space<vmem>> -> memref<10000xi32, #tpu.memory_space<vmem>>
      %dma_start3A_42 = arith.constant 0 : i32
      %dma_start3A_43 = tpu.memref_slice %arg4[%add3A, %dma_start3A_42] : memref<32x10000xi32, #tpu.memory_space<hbm>> -> memref<1x10000xi32, #tpu.memory_space<hbm>>
      %dma_start3A_44 = tpu.memref_squeeze %dma_start3A_43 : memref<1x10000xi32, #tpu.memory_space<hbm>> -> memref<10000xi32, #tpu.memory_space<hbm>>
      %dma_start3A_45 = arith.constant 0 : i32
      %dma_start3A_46 = tpu.memref_slice %arg4[%add3A, %dma_start3A_45] : memref<32x10000xi32, #tpu.memory_space<hbm>> -> memref<1x10000xi32, #tpu.memory_space<hbm>>
      %dma_start3A_47 = tpu.memref_squeeze %dma_start3A_46 : memref<1x10000xi32, #tpu.memory_space<hbm>> -> memref<10000xi32, #tpu.memory_space<hbm>>
      %dma_start3A_48 = arith.constant 0 : i32
      %dma_start3A_49 = tpu.memref_slice %arg9[%dma_start3A_48] : memref<80000xi32, #tpu.memory_space<vmem>> -> memref<10000xi32, #tpu.memory_space<vmem>>
      tpu.enqueue_dma source(%dma_start3A_49 : memref<10000xi32, #tpu.memory_space<vmem>>) target(%dma_start3A_47 : memref<10000xi32, #tpu.memory_space<hbm>>) target_semaphore(%run_scoped3A : memref<!tpu.dma_semaphore, #tpu.memory_space<semaphore_mem>>)
      %dma_wait3A = arith.constant 0 : i32
      %dma_wait3A_50 = tpu.memref_slice %arg9[%dma_wait3A] : memref<80000xi32, #tpu.memory_space<vmem>> -> memref<10000xi32, #tpu.memory_space<vmem>>
      %dma_wait3A_51 = arith.constant 0 : i32
      %dma_wait3A_52 = tpu.memref_slice %arg4[%add3A, %dma_wait3A_51] : memref<32x10000xi32, #tpu.memory_space<hbm>> -> memref<1x10000xi32, #tpu.memory_space<hbm>>
      %dma_wait3A_53 = tpu.memref_squeeze %dma_wait3A_52 : memref<1x10000xi32, #tpu.memory_space<hbm>> -> memref<10000xi32, #tpu.memory_space<hbm>>
      %dma_wait3A_54 = arith.constant 0 : i32
      %dma_wait3A_55 = tpu.memref_slice %arg4[%add3A, %dma_wait3A_54] : memref<32x10000xi32, #tpu.memory_space<hbm>> -> memref<1x10000xi32, #tpu.memory_space<hbm>>
      %dma_wait3A_56 = tpu.memref_squeeze %dma_wait3A_55 : memref<1x10000xi32, #tpu.memory_space<hbm>> -> memref<10000xi32, #tpu.memory_space<hbm>>
      %dma_wait3A_57 = arith.constant 0 : i32
      %dma_wait3A_58 = tpu.memref_slice %arg9[%dma_wait3A_57] : memref<80000xi32, #tpu.memory_space<vmem>> -> memref<10000xi32, #tpu.memory_space<vmem>>
      tpu.wait_dma2 semaphore(%run_scoped3A : memref<!tpu.dma_semaphore, #tpu.memory_space<semaphore_mem>>) src(%dma_wait3A_58 : memref<10000xi32, #tpu.memory_space<vmem>>) dst(%dma_wait3A_56 : memref<10000xi32, #tpu.memory_space<hbm>>)
      tpu.yield
    }) : () -> ()
    return
  }
}

module attributes {stable_mosaic.version = 14 : i64} {
  func.func @_k1_body(%arg0: memref<10000x128xf32, #tpu.memory_space<vmem>>, %arg1: memref<128x64xf32, #tpu.memory_space<vmem>>, %arg2: memref<10000x32xf32, #tpu.memory_space<vmem>>, %arg3: memref<10000x32xf32, #tpu.memory_space<vmem>>) attributes {dimension_semantics = [], scalar_prefetch = 0 : i64, scratch_operands = 0 : i64, tpu.core_type = #tpu.core_type<tc>} {
    %get3A = arith.constant 0 : index
    %get3A_0 = arith.constant 0 : index
    %get3A_1 = vector.load %arg0[%get3A, %get3A_0] : memref<10000x128xf32, #tpu.memory_space<vmem>>, vector<10000x128xf32>
    %get3A_2 = arith.constant 0 : index
    %get3A_3 = arith.constant 0 : index
    %get3A_4 = vector.load %arg1[%get3A_2, %get3A_3] : memref<128x64xf32, #tpu.memory_space<vmem>>, vector<128x64xf32>
    %dot_general3A = arith.constant dense<0.000000e+00> : vector<10000x64xf32>
    %dot_general3A_5 = tpu.matmul %get3A_1, %get3A_4, %dot_general3A {dimension_numbers = #tpu.dot_dimension_numbers<[1], [0], [0], [1], [0, 0, 1, 1], [], []>, transpose_lhs_hint = false} : vector<10000x128xf32>, vector<128x64xf32>, vector<10000x64xf32> -> vector<10000x64xf32>
    %slice3A = vector.extract_strided_slice %dot_general3A_5 {offsets = [0, 0], sizes = [10000, 32], strides = [1, 1]} : vector<10000x64xf32> to vector<10000x32xf32>
    %swap3A = arith.constant 0 : index
    %swap3A_6 = arith.constant 0 : index
    %swap3A_7 = vector.load %arg2[%swap3A, %swap3A_6] : memref<10000x32xf32, #tpu.memory_space<vmem>>, vector<10000x32xf32>
    tpu.vector_store %arg2[%swap3A, %swap3A_6], %slice3A {strides = array<i32>} : memref<10000x32xf32, #tpu.memory_space<vmem>>, vector<10000x32xf32>,
    %slice3A_8 = vector.extract_strided_slice %dot_general3A_5 {offsets = [0, 32], sizes = [10000, 32], strides = [1, 1]} : vector<10000x64xf32> to vector<10000x32xf32>
    %swap3A_9 = arith.constant 0 : index
    %swap3A_10 = arith.constant 0 : index
    %swap3A_11 = vector.load %arg3[%swap3A_9, %swap3A_10] : memref<10000x32xf32, #tpu.memory_space<vmem>>, vector<10000x32xf32>
    tpu.vector_store %arg3[%swap3A_9, %swap3A_10], %slice3A_8 {strides = array<i32>} : memref<10000x32xf32, #tpu.memory_space<vmem>>, vector<10000x32xf32>,
    return
  }
}

module attributes {stable_mosaic.version = 14 : i64} {
  func.func @_k3_body(%arg0: i32, %arg1: memref<6400x32xf32, #tpu.memory_space<vmem>>, %arg2: memref<6400x16xf32, #tpu.memory_space<vmem>>, %arg3: memref<16x32xf32, #tpu.memory_space<vmem>>, %arg4: memref<1x32xf32, #tpu.memory_space<vmem>>, %arg5: memref<32x32xf32, #tpu.memory_space<vmem>>, %arg6: memref<16x6400xi32, #tpu.memory_space<vmem>>) attributes {dimension_semantics = [#tpu.dimension_semantics<arbitrary>], iteration_bounds = array<i64: 50>, scalar_prefetch = 0 : i64, scratch_operands = 0 : i64, tpu.core_type = #tpu.core_type<tc>, window_params = [{transform_indices = @transform_0, window_bounds = array<i64: 6400, 32>}, {transform_indices = @transform_1, window_bounds = array<i64: 6400, 16>}, {pipeline_mode = #tpu.pipeline_mode<synchronous>, transform_indices = @transform_2, window_bounds = array<i64: 16, 32>}, {pipeline_mode = #tpu.pipeline_mode<synchronous>, transform_indices = @transform_3, window_bounds = array<i64: 1, 32>}, {pipeline_mode = #tpu.pipeline_mode<synchronous>, transform_indices = @transform_4, window_bounds = array<i64: 32, 32>}, {transform_indices = @transform_5, window_bounds = array<i64: 16, 6400>}]} {
    %get3A = arith.constant 0 : index
    %get3A_0 = arith.constant 0 : index
    %get3A_1 = vector.load %arg2[%get3A, %get3A_0] : memref<6400x16xf32, #tpu.memory_space<vmem>>, vector<6400x16xf32>
    %get3A_2 = arith.constant 0 : index
    %get3A_3 = arith.constant 0 : index
    %get3A_4 = vector.load %arg3[%get3A_2, %get3A_3] : memref<16x32xf32, #tpu.memory_space<vmem>>, vector<16x32xf32>
    %dot_general3A = arith.constant dense<0.000000e+00> : vector<6400x32xf32>
    %dot_general3A_5 = tpu.matmul %get3A_1, %get3A_4, %dot_general3A {dimension_numbers = #tpu.dot_dimension_numbers<[1], [0], [0], [1], [0, 0, 1, 1], [], []>, transpose_lhs_hint = false} : vector<6400x16xf32>, vector<16x32xf32>, vector<6400x32xf32> -> vector<6400x32xf32>
    %get3A_6 = arith.constant 0 : index
    %get3A_7 = arith.constant 0 : index
    %get3A_8 = vector.load %arg1[%get3A_6, %get3A_7] : memref<6400x32xf32, #tpu.memory_space<vmem>>, vector<6400x32xf32>
    %add3A = arith.addf %get3A_8, %dot_general3A_5 : vector<6400x32xf32>
    %get3A_9 = arith.constant 0 : index
    %get3A_10 = arith.constant 0 : index
    %get3A_11 = vector.load %arg4[%get3A_9, %get3A_10] : memref<1x32xf32, #tpu.memory_space<vmem>>, vector<1x32xf32>
    %add3A_12 = vector.broadcast %get3A_11 : vector<1x32xf32> to vector<6400x32xf32>
    %add3A_13 = arith.addf %add3A, %add3A_12 : vector<6400x32xf32>
    %max3A = arith.constant 0.000000e+00 : f32
    %max3A_14 = vector.broadcast %max3A : f32 to vector<6400x32xf32>
    %max3A_15 = arith.maximumf %add3A_13, %max3A_14 : vector<6400x32xf32>
    %get3A_16 = arith.constant 0 : index
    %get3A_17 = arith.constant 0 : index
    %get3A_18 = vector.load %arg5[%get3A_16, %get3A_17] : memref<32x32xf32, #tpu.memory_space<vmem>>, vector<32x32xf32>
    %dot_general3A_19 = arith.constant dense<0.000000e+00> : vector<32x6400xf32>
    %dot_general3A_20 = tpu.matmul %get3A_18, %max3A_15, %dot_general3A_19 {dimension_numbers = #tpu.dot_dimension_numbers<[1], [1], [0], [0], [0, 0, 1, 0], [], []>, transpose_lhs_hint = false} : vector<32x32xf32>, vector<6400x32xf32>, vector<32x6400xf32> -> vector<32x6400xf32>
    %convert_element_type3A = arith.truncf %dot_general3A_20 : vector<32x6400xf32> to vector<32x6400xbf16>
    %slice3A = vector.extract_strided_slice %convert_element_type3A {offsets = [0, 0], sizes = [16, 6400], strides = [1, 1]} : vector<32x6400xbf16> to vector<16x6400xbf16>
    %bitcast_convert_type3A = tpu.bitcast %slice3A : vector<16x6400xbf16> -> vector<16x6400xi16>
    %convert_element_type3A_21 = arith.extui %bitcast_convert_type3A : vector<16x6400xi16> to vector<16x6400xi32>
    %slice3A_22 = vector.extract_strided_slice %convert_element_type3A {offsets = [16, 0], sizes = [16, 6400], strides = [1, 1]} : vector<32x6400xbf16> to vector<16x6400xbf16>
    %bitcast_convert_type3A_23 = tpu.bitcast %slice3A_22 : vector<16x6400xbf16> -> vector<16x6400xi16>
    %convert_element_type3A_24 = arith.extui %bitcast_convert_type3A_23 : vector<16x6400xi16> to vector<16x6400xi32>
    %shift_left3A = arith.constant 16 : i32
    %shift_left3A_25 = vector.broadcast %shift_left3A : i32 to vector<16x6400xi32>
    %shift_left3A_26 = arith.shli %convert_element_type3A_24, %shift_left3A_25 : vector<16x6400xi32>
    %or3A = arith.ori %shift_left3A_26, %convert_element_type3A_21 : vector<16x6400xi32>
    %bitcast_convert_type3A_27 = tpu.bitcast %or3A : vector<16x6400xi32> -> vector<16x6400xi32>
    %swap3A = arith.constant 0 : index
    %swap3A_28 = arith.constant 0 : index
    %swap3A_29 = vector.load %arg6[%swap3A, %swap3A_28] : memref<16x6400xi32, #tpu.memory_space<vmem>>, vector<16x6400xi32>
    tpu.vector_store %arg6[%swap3A, %swap3A_28], %bitcast_convert_type3A_27 {strides = array<i32>} : memref<16x6400xi32, #tpu.memory_space<vmem>>, vector<16x6400xi32>,
    return
  }
  func.func @transform_0(%arg0: i32) -> (i32, i32) {
    %c0_i32 = arith.constant 0 : i32
    %c0_i32_0 = arith.constant 0 : i32
    return %arg0, %c0_i32 : i32, i32
  }
  func.func @transform_1(%arg0: i32) -> (i32, i32) {
    %c0_i32 = arith.constant 0 : i32
    %c0_i32_0 = arith.constant 0 : i32
    return %arg0, %c0_i32 : i32, i32
  }
  func.func @transform_2(%arg0: i32) -> (i32, i32) {
    %c0_i32 = arith.constant 0 : i32
    %c0_i32_0 = arith.constant 0 : i32
    %c0_i32_1 = arith.constant 0 : i32
    return %c0_i32, %c0_i32_0 : i32, i32
  }
  func.func @transform_3(%arg0: i32) -> (i32, i32) {
    %c0_i32 = arith.constant 0 : i32
    %c0_i32_0 = arith.constant 0 : i32
    %c0_i32_1 = arith.constant 0 : i32
    return %c0_i32, %c0_i32_0 : i32, i32
  }
  func.func @transform_4(%arg0: i32) -> (i32, i32) {
    %c0_i32 = arith.constant 0 : i32
    %c0_i32_0 = arith.constant 0 : i32
    %c0_i32_1 = arith.constant 0 : i32
    return %c0_i32, %c0_i32_0 : i32, i32
  }
  func.func @transform_5(%arg0: i32) -> (i32, i32) {
    %c0_i32 = arith.constant 0 : i32
    %c0_i32_0 = arith.constant 0 : i32
    return %c0_i32, %arg0 : i32, i32
  }
}

</mosaic_0001>

<sc_bundles>
// kernel: kernel.6.cloned.1.call-start
scs
__scs_entry_jumppad:
0x0: {  	(pc) =	sbr.rel $0x88, $3  }
0x1: {  	(tag) =	ssettag $0x0;
	lr =	simm.s32 $0x1  }
0x2: {  	[smem:$0x3F9A] =	sst lr;
	_ =	strace $0xD0000000  }
0x3: {  	_ = 	snop  }
0x4: {  	_ = 	snop  }
0x5: {  	_ = 	snop  }
0x6: {  	_ = 	snop  }
0x7: {  	_ = 	snop  }
__scs_overlays_trampoline_lowered:
0x8: {  	[smem:$0x3FA9] =	sst s0  }
0x9: {  	[smem:$0x3FAA] =	sst s1  }
0xa: {  	[smem:$0x3FAB] =	sst s2  }
0xb: {  	[smem:$0x3FAC] =	sst s3  }
0xc: {  	[smem:$0x3FAD] =	sst s4  }
0xd: {  	[smem:$0x3FAE] =	sst s5  }
0xe: {  	[smem:$0x3FAF] =	sst s6  }
0xf: {  	[smem:$0x3FB0] =	sst s7  }
0x10: {  	[smem:$0x3FB1] =	sst s8  }
0x11: {  	[smem:$0x3FB2] =	sst s9;
	s0 =	simm.s32 @!p0 $0x0  }
0x12: {  	s1 =	sld [smem:$0x3F98];
	s0 =	simm.s32 @p0 $0x1  }
0x13: {  	[smem:$0x3FB3] =	sst s0;
	s0 =	simm.s32 @!p1 $0x0  }
0x14: {  	s2 =	sld [smem:$0x3F97];
	s0 =	simm.s32 @p1 $0x1  }
0x15: {  	[smem:$0x3FB4] =	sst s0;
	s0 =	simm.s32 @!p2 $0x0  }
0x16: {  	s3 =	sld [smem:$0x3FDB];
	s0 =	simm.s32 @p2 $0x1  }
0x17: {  	s4 =	simm.s32 $0x1BF5;
	[smem:$0x3FB6] =	sst s0  }
0x18: {  	s0 =	sld [smem:$0x3F99];
	_ =	swait.ge [sflag:s4], $0x0  }
0x19: {  	s7 =	sld [smem:$0x3F9A]  }
0x1a: {  	s8 =	sadd.s32 $0xFFFFE003, lr  }
0x1b: {  	s9 =	sadd.s32 $0xFFFFFEF7, lr;
	s5 =	simm.s32 $0xFFFFFFFF;
	p2 =	slt.u32 s8, $0xFFFFF086  }
0x1c: {  	p1 =	slt.u32 s9, $0xF7A;
	s5 =	simm.s32 @!p2 $0x0  }
0x1d: {  	s5 =	simm.s32 @p1 $0x1;
	p0 =	seq.s32 s7, s2  }
0x1e: {  	s7 =	smul.u32 @!p0 $0xF7A, s2;
	p2 =	seq.s32 @!p0 s5, $0x0  }
0x1f: {  	s9 =	smul.u32 $0xF7A, s1;
	s8 =	simm.s32 @!p0 $0x1BF5;
	p2 =	por !p2, p0  }
0x20: {  	[sflag:s8] =	ssyncset.s32 @!p0 $0xFFFFF086;
	s6 =	sadd.s32 @!p0 s3, s7;
	s7 =	simm.s32 @!p0 $0x108  }
0x21: {  	s3 =	sadd.s32 s3, s9;
	s6 =	sadd.s32 @!p0 $0x88, s6;
	s7 =	simm.s32 @p2 $0x1082  }
0x22: {  	[simem:s7], [sflag:s8] =	dma.local @!p0 [hbm:s6], $0xF7A  }
0x23: {  	s9 =	sor.u32 $0xD0000000, s2;
	s6 =	simm.s32 $0x108;
	_ =	swait.ge @!p0 [sflag:s8], $0x0  }
0x24: {  	s3 =	sadd.s32 $0x88, s3;
	s6 =	simm.s32 @!p1 $0x1082;
	[sflag:s4] =	ssyncset.s32 $0xFFFFF086  }
0x25: {  	[simem:s6], [sflag:s4] =	dma.local [hbm:s3], $0xF7A  }
0x26: {  	[smem:$0x3F9A] =	sst s1;
	(tag) =	ssettag s2;
	_ =	strace s9  }
0x27: {  	s1 =	sld [smem:$0x3FAA]  }
0x28: {  	s2 =	sld [smem:$0x3FAB]  }
0x29: {  	s4 =	sld [smem:$0x3FAD]  }
0x2a: {  	p0 =	seq.s32 s5, $0x0;
	s5 =	sld [smem:$0x3FAE]  }
0x2b: {  	s6 =	sld [smem:$0x3FAF]  }
0x2c: {  	s7 =	sld [smem:$0x3FB0]  }
0x2d: {  	s3 =	simm.s32 $0x108;
	s8 =	sld [smem:$0x3FB1]  }
0x2e: {  	s3 =	simm.s32 @!p0 $0x1082;
	s9 =	sld [smem:$0x3FB2]  }
0x2f: {  	lr =	sadd.s32 s0, s3;
	s0 =	sld [smem:$0x3FA9]  }
0x30: {  	s3 =	sld [smem:$0x3FAC]  }
0x31: {  	[smem:$0x3FB5] =	sst s10  }
0x32: {  	s10 =	sld [smem:$0x3FB3];
	_ =	sdelay $0x3  }
0x33: {  	p0 =	seq.s32 s10, $0x1;
	s10 =	sld [smem:$0x3FB5];
	_ =	sdelay $0x3  }
0x34: {  	[smem:$0x3FB5] =	sst s10  }
0x35: {  	s10 =	sld [smem:$0x3FB4];
	_ =	sdelay $0x3  }
0x36: {  	p1 =	seq.s32 s10, $0x1;
	s10 =	sld [smem:$0x3FB5];
	_ =	sdelay $0x3  }
0x37: {  	[smem:$0x3FB5] =	sst s10  }
0x38: {  	s10 =	sld [smem:$0x3FB6]  }
0x39: {  	_ = 	snop;
	(pc) =	sbr.ind lr, $3  }
0x3a: {  	_ = 	snop  }
0x3b: {  	_ = 	snop  }
0x3c: {  	p2 =	seq.s32 s10, $0x1;
	s10 =	sld [smem:$0x3FB5]  }
0x3d: {  	_ =	shalt  }
0x3e: {  	_ =	shalt  }
0x3f: {  	_ =	shalt  }
0x40: {  	_ =	shalt  }
0x41: {  	_ =	shalt  }
0x42: {  	_ =	shalt  }
0x43: {  	_ =	shalt  }
0x44: {  	_ =	shalt  }
0x45: {  	_ =	shalt  }
0x46: {  	_ =	shalt  }
0x47: {  	_ =	shalt  }
0x48: {  	_ =	shalt  }
0x49: {  	_ =	shalt  }
0x4a: {  	_ =	shalt  }
0x4b: {  	_ =	shalt  }
0x4c: {  	_ =	shalt  }
0x4d: {  	_ =	shalt  }
0x4e: {  	_ =	shalt  }
0x4f: {  	_ =	shalt  }
0x50: {  	_ =	shalt  }
0x51: {  	_ =	shalt  }
0x52: {  	_ =	shalt  }
0x53: {  	_ =	shalt  }
0x54: {  	_ =	shalt  }
0x55: {  	_ =	shalt  }
0x56: {  	_ =	shalt  }
0x57: {  	_ =	shalt  }
0x58: {  	_ =	shalt  }
0x59: {  	_ =	shalt  }
0x5a: {  	_ =	shalt  }
0x5b: {  	_ =	shalt  }
0x5c: {  	_ =	shalt  }
0x5d: {  	_ =	shalt  }
0x5e: {  	_ =	shalt  }
0x5f: {  	_ =	shalt  }
0x60: {  	_ =	shalt  }
0x61: {  	_ =	shalt  }
0x62: {  	_ =	shalt  }
0x63: {  	_ =	shalt  }
0x64: {  	_ =	shalt  }
0x65: {  	_ =	shalt  }
0x66: {  	_ =	shalt  }
0x67: {  	_ =	shalt  }
0x68: {  	_ =	shalt  }
0x69: {  	_ =	shalt  }
0x6a: {  	_ =	shalt  }
0x6b: {  	_ =	shalt  }
0x6c: {  	_ =	shalt  }
0x6d: {  	_ =	shalt  }
0x6e: {  	_ =	shalt  }
0x6f: {  	_ =	shalt  }
0x70: {  	_ =	shalt  }
0x71: {  	_ =	shalt  }
0x72: {  	_ =	shalt  }
0x73: {  	_ =	shalt  }
0x74: {  	_ =	shalt  }
0x75: {  	_ =	shalt  }
0x76: {  	_ =	shalt  }
0x77: {  	_ =	shalt  }
0x78: {  	_ =	shalt  }
0x79: {  	_ =	shalt  }
0x7a: {  	_ =	shalt  }
0x7b: {  	_ =	shalt  }
0x7c: {  	_ =	shalt  }
0x7d: {  	_ =	shalt  }
0x7e: {  	_ =	shalt  }
0x7f: {  	_ =	shalt  }
0x80: {  	_ =	shalt  }
0x81: {  	_ =	shalt  }
0x82: {  	_ =	shalt  }
0x83: {  	_ =	shalt  }
0x84: {  	_ =	shalt  }
0x85: {  	_ =	shalt  }
0x86: {  	_ =	shalt  }
0x87: {  	_ =	shalt  }
.Lfunc_end0:
.L_simem_size_0:
called_computation_lowered:
.L_overlay_start_0:
0x88: {  	s2 =	sld [smem:$0x3FD9]  }
0x89: {  	s3 =	sld [smem:$0x3FFE];
	_ =	sdelay $0x1  }
0x8a: {  	s1 =	srdreg.scid  }
0x8b: {  	s0 =	sand.u32 $0x1, s1  }
0x8c: {  	s17 =	sshll.u32 s0, $0xA;
	s2 =	sadd.s32 s3, s2  }
0x8d: {  	s2 =	sadd.s32 s2, s17  }
0x8e: {  	[smem:$0x3FC1] =	sst s2  }
0x8f: {  	_ = 	snop  }
0x90: {  	s2 =	sld [smem:$0x3FD0];
	(tm) =	ssettm $0x1  }
0x91: {  	s18 =	sld [smem:$0x3FFB];
	_ =	sdelay $0x3  }
0x92: {  	_ =	strace s18  }
0x93: {  	s3 =	sld [smem:$0x3FFC];
	_ =	sdelay $0x3  }
0x94: {  	_ =	strace s3  }
0x95: {  	s3 =	sld [smem:$0x3FFD];
	_ =	sdelay $0x3  }
0x96: {  	_ =	strace s3  }
0x97: {  	_ =	strace $0x8FFFFFFF  }
0x98: {  	s19 =	sld [smem:$0x3FDB];
	_ =	sdelay $0x1  }
0x99: {  	s4 =	simm.s32 $_scs_section_size  }
0x9a: {  	s5 =	simm.s32 $_size__tile_overlayer_lowered;
	s6 =	simm.s32 $_tile_overlayer_lowered  }
0x9b: {  	s22 =	simm.s32 $0x1BFF;
	s21 =	sshll.u32 s6, $0x1;
	s3 =	sadd.s32 s4, s19  }
0x9c: {  	s7 =	simm.s32 $0x0;
	s20 =	sshll.u32 s5, $0x1;
	s5 =	sadd.s32 s21, s3  }
0x9d: {  	[timem:s7], [sflag:s22] =	dma.local [hbm:s5], s20  }
0x9e: {  	_ =	swait.ge [sflag:s22], s20  }
0x9f: {  	s4 =	ssub.s32 $0x0, s20;
	[sflag:s22] =	ssyncset.done $0x0  }
0xa0: {  	[sflag:s22] =	ssyncadd.s32 s4;
	_ =	sdelay $0x1  }
0xa1: {  	s23 =	simm.s32 $0x1B8B  }
0xa2: {  	_ =	swait.ge [sflag:s23], $0x1  }
0xa3: {  	[sflag:s23] =	ssyncset.done $0x0  }
0xa4: {  	s25 =	simm.s32 $0x1B8E;
	s24 =	sld [smem:$0x3FFE];
	[sflag:s23] =	ssyncadd.s32 $0xFFFFFFFF  }
0xa5: {  	s26 =	simm.s32 $execute0_lowered;
	[smem:$0x3FD2] =	sst s25  }
0xa6: {  	s5 =	sshll.u32 s26, $0x1;
	_ =	strace $0x80000046;
	[dreg:$0x1] =	wrdreg $0xFFFFFFFF  }
0xa7: {  	s28 =	simm.s32 $_size_execute0_lowered;
	s3 =	sadd.s32 s3, s5;
	[dreg:$0x0] =	wrdreg $0x0  }
0xa8: {  	s5 =	sshll.u32 s28, $0x1;
	[dreg:$0x2] =	wrdreg s3  }
0xa9: {  	[dreg:$0x3] =	wrdreg s5  }
0xaa: {  	[dreg:$0x4] =	wrdreg $0xC0  }
0xab: {  	_ =	task [dreg:s7], $0x5FFFF  }
0xac: {  	[dreg:$0x1] =	wrdreg $0xFFFFFFFF  }
0xad: {  	[dreg:$0x0] =	wrdreg $0x60  }
0xae: {  	[dreg:$0x2] =	wrdreg s2  }
0xaf: {  	[dreg:$0x3] =	wrdreg s24  }
0xb0: {  	[dreg:$0x4] =	wrdreg $0x9  }
0xb1: {  	_ =	task.clear_ibuf [dreg:s7], $0x5FFFF;
	_ =	strace $0x90000046  }
0xb2: {  	s29 =	simm.s32 $0x9;
	_ =	strace $0x80000048  }
0xb3: {  	_ =	swait.ge [sflag:s29], $0x1  }
0xb4: {  	[sflag:s29] =	ssyncadd.s32 $0xFFFFFFFF  }
0xb5: {  	_ =	strace $0x90000048  }
0xb6: {  	_ =	sfence  }
0xb7: {  	s30 =	sld [smem:$0x0];
	_ =	sdelay $0x2  }
0xb8: {  	s31 =	sshll.u32 s1, $0xD;
	s1 =	sshrl.u32 s1, $0x2  }
0xb9: {  	s3 =	sand.u32 $0x4000, s31;
	s1 =	sadd.s32 s1, s30  }
0xba: {  	s0 =	sor.u32 s3, s0;
	s1 =	sshll.u32 s1, $0x11  }
0xbb: {  	s0 =	sor.u32 s1, s0  }
0xbc: {  	s0 =	sadd.s32 $0x8F2B, s0  }
0xbd: {  	[sflag:s0] =	ssyncadd.remote.s32 $0x1  }
0xbe: {  	_ =	sfence.sel $0xFFFF  }
0xbf: {  	[dreg:$0x0] =	wrdreg $0xFFFFFFFF;
	(pc) =	sbr.abs _section_cstart, $3  }
0xc0: {  	[dreg:$0x1] =	wrdreg $0xFFFFFFFF  }
0xc1: {  	_ =	task.clear_ibuf [dreg:s7], $0x2FFFF;
	_ =	strace $0x9FFFFFFF  }
0xc2: {  	(tm) =	ssettm $0x7FFFFFFF  }
0xc3: {  	_ =	shalt  }
tec
execute0_lowered:
.L_overlay_start_1:
0x0: {  	(tag) =	ssettag $0x1  }
0x1: {  	s1 =	rddreg [dreg:$0x0]  }
0x2: {  	s0 =	rddreg [dreg:$0x1];
	s3 =	simm.s32 $0x0;
	s2 =	srdreg.scid  }
0x3: {  	s4 =	stileid.u32;
	s19 =	simm.s32 $0x28;
	s28 =	simm.s32 $0x3  }
0x4: {  	s29 =	simm.s32 $0x2;
	s30 =	simm.s32 $0x1C20;
	s11 =	simm.s32 $0x5820  }
0x5: {  	s17 =	simm.s32 $0x2D0;
	s12 =	simm.s32 $0x2B20;
	s13 =	simm.s32 $0x140  }
0x6: {  	s16 =	simm.s32 $0x5D20;
	s18 =	simm.s32 $0x2F8;
	s20 =	simm.s32 $0x3020  }
0x7: {  	s31 =	simm.s32 $0x168;
	s21 =	simm.s32 $0x4;
	s22 =	simm.s32 $0x0  }
0x8: {  	[smem:$0x7FF] =	sst s3;
	s2 =	sand.u32 $0x1, s2;
	s4 =	sshll.u32 s4, $0x1  }
0x9: {  	s5 =	sadd.s32 $0x2600, s0;
	s6 =	sor.u32 s2, s4;
	s23 =	ssub.s32 $0x2, s2  }
0xa: {  	s7 =	sadd.s32 $0xC400, s0;
	s6 =	smul.u32 $0x2710, s6;
	s2 =	sshrl.u32 s23, $0x1  }
0xb: {  	s8 =	sadd.s32 $0x20000, s0;
	s4 =	sadd.s32 $0x16200, s0;
	s0 =	ssub.s32 s23, s2  }
0xc: {  	_ =	strace $0x80000047;
	s10 =	sshrl.u32 s6, $0x3;
	s0 =	smax.u32 s0, $0x1  }
0xd: {  	s9 =	sadd.s32 $0xC8, s6;
	s24 =	sadd.s32 s5, s10;
	[dreg:$0x7] =	wrdreg s0  }
0xe: {  	s25 =	sshrl.u32 s9, $0x3;
	s10 =	sadd.s32 s7, s10;
	[dreg:$0x3] =	wrdreg s24  }
0xf: {  	s14 =	sadd.s32 $0x190, s6;
	[dreg:$0x4] =	wrdreg s10;
	s26 =	sadd.s32 s5, s25  }
0x10: {  	s15 =	sadd.s32 $0x258, s6;
	s2 =	sadd.s32 s7, s25;
	[dreg:$0x5] =	wrdreg s26  }
0x11: {  	s0 =	simm.s32 $0x6220;
	[dreg:$0x6] =	wrdreg s2;
	s2 =	simm.s32 $0x5  }
.LBB2_1:
0x12: {  	[dreg:$0x8] =	wrdreg s22  }
0x13: {  	s10 =	rddreg [dreg:$0x3]  }
0x14: {  	[tilespmem:s3], [sflag:$0x1] =	stream.linear.gather [hbm4b:s10+s3], $0xC8, $0x38;
	[tilespmem:$0x6720] =	vst v63  }
0x15: {  	s24 =	rddreg [dreg:$0x4];
	s25 =	simm.s32 $0x190;
	s26 =	simm.s32 $0x1  }
0x16: {  	[tilespmem:s25], [sflag:$0x1] =	stream.linear.gather [hbm4b:s24+s3], $0xC8, $0x38;
	[tilespmem:$0x6720] =	vst v63  }
0x17: {  	_ =	swait.ge [sflag:s26], $0xC8  }
0x18: {  	[sflag:s26] =	ssyncset.done $0x0  }
0x19: {  	[sflag:s26] =	ssyncadd.s32 $0xFFFFFF38  }
0x1a: {  	_ =	swait.ge [sflag:s26], $0xC8  }
0x1b: {  	[sflag:s26] =	ssyncset.done $0x0  }
0x1c: {  	s23 =	simm.s32 $0x320;
	[sflag:s26] =	ssyncadd.s32 $0xFFFFFF38  }
0x1d: {  	[tilespmem:s23], [sflag:$0x3] =	stream.indirect.gather [hbm4b:s1+s19], $0x20, s25, s19, $0xb8;
	[tilespmem:$0x6720] =	vst v63  }
0x1e: {  	s24 =	simm.s32 $0x3520  }
0x1f: {  	[tilespmem:s24], [sflag:$0x3] =	stream.indirect.gather [hbm4b:s4+s19], $0x20, s3, s19, $0xb8;
	[tilespmem:$0x6720] =	vst v63  }
0x20: {  	s26 =	simm.s32 $0x820;
	s25 =	simm.s32 $0x1B8  }
0x21: {  	[tilespmem:s26], [sflag:$0x3] =	stream.indirect.gather [hbm4b:s1+s19], $0x20, s25, s19, $0xb8;
	[tilespmem:$0x6720] =	vst v63  }
0x22: {  	s22 =	simm.s32 $0x3A20  }
0x23: {  	[tilespmem:s22], [sflag:$0x3] =	stream.indirect.gather [hbm4b:s4+s19], $0x20, s19, s19, $0xb8;
	[tilespmem:$0x6720] =	vst v63  }
0x24: {  	s23 =	simm.s32 $0x1E0;
	s24 =	simm.s32 $0xD20  }
0x25: {  	[tilespmem:s24], [sflag:$0x3] =	stream.indirect.gather [hbm4b:s1+s19], $0x20, s23, s19, $0xb8;
	[tilespmem:$0x6720] =	vst v63  }
0x26: {  	s25 =	simm.s32 $0x50;
	s26 =	simm.s32 $0x3F20  }
0x27: {  	[tilespmem:s26], [sflag:$0x3] =	stream.indirect.gather [hbm4b:s4+s19], $0x20, s25, s19, $0xb8;
	[tilespmem:$0x6720] =	vst v63  }
0x28: {  	s23 =	simm.s32 $0x208;
	s24 =	simm.s32 $0x1220  }
0x29: {  	[tilespmem:s24], [sflag:$0x3] =	stream.indirect.gather [hbm4b:s1+s19], $0x20, s23, s19, $0xb8;
	[tilespmem:$0x6720] =	vst v63  }
0x2a: {  	s25 =	simm.s32 $0x78;
	s26 =	simm.s32 $0x4420  }
0x2b: {  	[tilespmem:s26], [sflag:$0x3] =	stream.indirect.gather [hbm4b:s4+s19], $0x20, s25, s19, $0xb8;
	[tilespmem:$0x6720] =	vst v63  }
0x2c: {  	s23 =	simm.s32 $0x230;
	s24 =	simm.s32 $0x1720  }
0x2d: {  	[tilespmem:s24], [sflag:$0x3] =	stream.indirect.gather [hbm4b:s1+s19], $0x20, s23, s19, $0xb8;
	[tilespmem:$0x6720] =	vst v63  }
0x2e: {  	s25 =	simm.s32 $0xA0;
	s26 =	simm.s32 $0x4920  }
0x2f: {  	[tilespmem:s26], [sflag:$0x3] =	stream.indirect.gather [hbm4b:s4+s19], $0x20, s25, s19, $0xb8;
	[tilespmem:$0x6720] =	vst v63  }
0x30: {  	s23 =	rddreg [dreg:$0x5];
	s24 =	simm.s32 $0xC8  }
0x31: {  	[tilespmem:s24], [sflag:$0x2] =	stream.linear.gather [hbm4b:s23+s3], $0xC8, $0x38;
	[tilespmem:$0x6720] =	vst v63  }
0x32: {  	s22 =	simm.s32 $0x0;
	s25 =	rddreg [dreg:$0x6];
	s26 =	simm.s32 $0x258  }
0x33: {  	[tilespmem:s26], [sflag:$0x2] =	stream.linear.gather [hbm4b:s25+s3], $0xC8, $0x38;
	[tilespmem:$0x6720] =	vst v63  }
.LBB2_2:
0x34: {  	_ =	swait.ge [sflag:s28], $0x1900  }
0x35: {  	[sflag:s28] =	ssyncset.done $0x0  }
0x36: {  	[sflag:s28] =	ssyncadd.s32 $0xFFFFE700  }
0x37: {  	_ =	swait.ge [sflag:s28], $0x1900  }
0x38: {  	[sflag:s28] =	ssyncset.done $0x0  }
0x39: {  	[sflag:s28] =	ssyncadd.s32 $0xFFFFE700  }
0x3a: {  	_ =	swait.ge [sflag:s29], $0xC8  }
0x3b: {  	[sflag:s29] =	ssyncset.done $0x0  }
0x3c: {  	[sflag:s29] =	ssyncadd.s32 $0xFFFFFF38  }
0x3d: {  	_ =	swait.ge [sflag:s29], $0xC8  }
0x3e: {  	[sflag:s29] =	ssyncset.done $0x0  }
0x3f: {  	s10 =	simm.s32 $0x258;
	[sflag:s29] =	ssyncadd.s32 $0xFFFFFF38  }
0x40: {  	[tilespmem:s30], [sflag:$0x4] =	stream.indirect.gather [hbm4b:s1+s19], $0x20, s10, s19, $0xb8;
	[tilespmem:$0x6720] =	vst v63  }
0x41: {  	s26 =	simm.s32 $0xC8;
	s23 =	simm.s32 $0x4E20  }
0x42: {  	[tilespmem:s23], [sflag:$0x4] =	stream.indirect.gather [hbm4b:s4+s19], $0x20, s26, s19, $0xb8;
	[tilespmem:$0x6720] =	vst v63  }
0x43: {  	s24 =	simm.s32 $0x2120;
	s23 =	simm.s32 $0x280  }
0x44: {  	[tilespmem:s24], [sflag:$0x4] =	stream.indirect.gather [hbm4b:s1+s19], $0x20, s23, s19, $0xb8;
	[tilespmem:$0x6720] =	vst v63  }
0x45: {  	s25 =	simm.s32 $0xF0;
	s26 =	simm.s32 $0x5320  }
0x46: {  	[tilespmem:s26], [sflag:$0x4] =	stream.indirect.gather [hbm4b:s4+s19], $0x20, s25, s19, $0xb8;
	[tilespmem:$0x6720] =	vst v63  }
0x47: {  	s24 =	simm.s32 $0x2A8;
	s25 =	simm.s32 $0x2620  }
0x48: {  	[tilespmem:s25], [sflag:$0x4] =	stream.indirect.gather [hbm4b:s1+s19], $0x20, s24, s19, $0xb8;
	[tilespmem:$0x6720] =	vst v63  }
0x49: {  	s26 =	simm.s32 $0x118  }
0x4a: {  	[tilespmem:s11], [sflag:$0x4] =	stream.indirect.gather [hbm4b:s4+s19], $0x20, s26, s19, $0xb8;
	[tilespmem:$0x6720] =	vst v63  }
0x4b: {  	p0 =	seq.s32 s22, $0x18  }
0x4c: {  	[tilespmem:s12], [sflag:$0x4] =	stream.indirect.gather [hbm4b:s1+s19], $0x20, s17, s19, $0xb8;
	[tilespmem:$0x6720] =	vst v63  }
0x4d: {  	s10 =	smul.u32 @!p0 $0x190, s22  }
0x4e: {  	[tilespmem:s16], [sflag:$0x4] =	stream.indirect.gather [hbm4b:s4+s19], $0x20, s13, s19, $0xb8;
	[tilespmem:$0x6720] =	vst v63  }
0x4f: {  	s10 =	sadd.s32 @!p0 s10, s14  }
0x50: {  	[tilespmem:s20], [sflag:$0x4] =	stream.indirect.gather [hbm4b:s1+s19], $0x20, s18, s19, $0xb8;
	[tilespmem:$0x6720] =	vst v63  }
0x51: {  	s10 =	sshrl.u32 @!p0 s10, $0x3  }
0x52: {  	[tilespmem:s0], [sflag:$0x4] =	stream.indirect.gather [hbm4b:s4+s19], $0x20, s31, s19, $0xb8;
	[tilespmem:$0x6720] =	vst v63  }
0x53: {  	s23 =	sadd.s32 @!p0 s5, s10;
	s24 =	simm.s32 @!p0 $0x0  }
0x54: {  	[tilespmem:s24], [sflag:$0x1] =	stream.linear.gather @!p0 [hbm4b:s23+s24], $0xC8, $0x38;
	[tilespmem:$0x6720] =	vst v63  }
0x55: {  	s10 =	sadd.s32 @!p0 s7, s10;
	s23 =	simm.s32 @!p0 $0x190  }
0x56: {  	[tilespmem:s23], [sflag:$0x1] =	stream.linear.gather @!p0 [hbm4b:s10+s24], $0xC8, $0x38;
	[tilespmem:$0x6720] =	vst v63  }
0x57: {  	s24 =	simm.s32 $0x360  }
0x58: {  	s23 =	simm.s32 $0x3560;
	v0 =	vld [tilespmem:s24+$0x20]  }
0x59: {  	v1 =	vld [tilespmem:s23+$0x20]  }
0x5a: {  	v2 =	vld [tilespmem:s24+$0xFFFFFFE0]  }
0x5b: {  	v3 =	vld [tilespmem:s23+$0xFFFFFFE0]  }
0x5c: {  	v4 =	vld [tilespmem:s24+$0x0]  }
0x5d: {  	v5 =	vld [tilespmem:s23+$0x0]  }
0x5e: {  	v6 =	vld [tilespmem:s23+$0xFFFFFFC0];
	v0 =	vadd.f32 v1, v0  }
0x5f: {  	v7 =	vld [tilespmem:s24+$0xFFFFFFC0]  }
0x60: {  	v8 =	vld [tilespmem:s24+$0x30];
	[tilespmem:s24+$0x20] =	vst v0  }
0x61: {  	v1 =	vadd.f32 v3, v2;
	v9 =	vld [tilespmem:s23+$0x30]  }
0x62: {  	v0 =	vld [tilespmem:s24+$0xFFFFFFD0]  }
0x63: {  	v2 =	vadd.f32 v5, v4;
	[tilespmem:s24+$0xFFFFFFE0] =	vst v1;
	v1 =	vld [tilespmem:s24+$0xFFFFFFF0]  }
0x64: {  	v4 =	vadd.f32 v6, v7;
	v3 =	vld [tilespmem:s23+$0xFFFFFFF0]  }
0x65: {  	[tilespmem:s24+$0x0] =	vst v2;
	v2 =	vld [tilespmem:s24+$0x10]  }
0x66: {  	[tilespmem:s24+$0xFFFFFFC0] =	vst v4;
	v4 =	vld [tilespmem:s23+$0x10];
	v6 =	vadd.f32 v9, v8  }
0x67: {  	s25 =	simm.s32 $0x0;
	s10 =	simm.s32 $0x3E0;
	v5 =	vld [tilespmem:s23+$0xFFFFFFD0]  }
.LBB2_3:
0x68: {  	v7 =	vld [tilespmem:s10+$0x20];
	[tilespmem:s24+$0x30] =	vst v6;
	s23 =	sadd.s32 $0x80, s23  }
0x69: {  	s25 =	sadd.s32 $0x4, s25;
	v6 =	vld [tilespmem:s23+$0x20];
	v1 =	vadd.f32 v3, v1  }
0x6a: {  	p1 =	slt.u32 s25, $0xC4;
	v3 =	vld [tilespmem:s23+$0xFFFFFFC0]  }
0x6b: {  	v8 =	vld [tilespmem:s10+$0xFFFFFFE0];
	[tilespmem:s24+$0xFFFFFFF0] =	vst v1;
	v1 =	vadd.f32 v4, v2  }
0x6c: {  	v2 =	vld [tilespmem:s23+$0xFFFFFFE0];
	v0 =	vadd.f32 v5, v0  }
0x6d: {  	v4 =	vld [tilespmem:s10+$0x0];
	[tilespmem:s24+$0x10] =	vst v1  }
0x6e: {  	v5 =	vld [tilespmem:s23+$0x0];
	v1 =	vadd.f32 v6, v7;
	[tilespmem:s24+$0xFFFFFFD0] =	vst v0;
	s24 =	smov.u32 s10  }
0x6f: {  	v6 =	vld [tilespmem:s10+$0xFFFFFFC0]  }
0x70: {  	[tilespmem:s10+$0x20] =	vst v1;
	v7 =	vld [tilespmem:s10+$0x30]  }
0x71: {  	v1 =	vadd.f32 v2, v8;
	v8 =	vld [tilespmem:s23+$0x30]  }
0x72: {  	v0 =	vld [tilespmem:s10+$0xFFFFFFD0]  }
.Ltmp0:
0x73: {  	[tilespmem:s10+$0xFFFFFFE0] =	vst v1;
	v1 =	vld [tilespmem:s10+$0xFFFFFFF0];
	v2 =	vadd.f32 v5, v4;
	(pc) =	sbr.rel @p1 .LBB2_3-.Ltmp0, $4  }
0x74: {  	v4 =	vadd.f32 v3, v6;
	v3 =	vld [tilespmem:s23+$0xFFFFFFF0]  }
0x75: {  	[tilespmem:s10+$0x0] =	vst v2;
	v2 =	vld [tilespmem:s10+$0x10]  }
0x76: {  	[tilespmem:s10+$0xFFFFFFC0] =	vst v4;
	v4 =	vld [tilespmem:s23+$0x10];
	v6 =	vadd.f32 v8, v7  }
0x77: {  	s10 =	sadd.s32 $0x80, s10;
	v5 =	vld [tilespmem:s23+$0xFFFFFFD0]  }
0x78: {  	_ =	sdelay $0x1  }
0x79: {  	s23 =	smul.u32 $0x190, s22;
	v1 =	vadd.f32 v3, v1  }
0x7a: {  	[tilespmem:s24+$0x30] =	vst v6;
	v2 =	vadd.f32 v4, v2  }
0x7b: {  	s10 =	sadd.s32 s6, s23;
	[tilespmem:s24+$0xFFFFFFF0] =	vst v1;
	v0 =	vadd.f32 v5, v0  }
0x7c: {  	s10 =	sshll.u32 s10, $0x2;
	[tilespmem:s24+$0x10] =	vst v2  }
0x7d: {  	s26 =	simm.s32 $0x320;
	s10 =	sadd.s32 s8, s10;
	[tilespmem:s24+$0xFFFFFFD0] =	vst v0  }
0x7e: {  	[hbm4b:s10+s3] =	stream.linear.scatter [tilespmem:s26], [sflag:$0x5], $0x1900, $0x38;
	[tilespmem:$0x6720] =	vst v63  }
0x7f: {  	_ =	swait.ge [sflag:s2], $0x1900  }
0x80: {  	[sflag:s2] =	ssyncset.done $0x0  }
0x81: {  	[sflag:s2] =	ssyncadd.s32 $0xFFFFE700  }
0x82: {  	_ =	swait.ge [sflag:s21], $0x1900  }
0x83: {  	[sflag:s21] =	ssyncset.done $0x0  }
0x84: {  	[sflag:s21] =	ssyncadd.s32 $0xFFFFE700  }
0x85: {  	_ =	swait.ge [sflag:s21], $0x1900  }
0x86: {  	[sflag:s21] =	ssyncset.done $0x0  }
0x87: {  	s10 =	simm.s32 @!p0 $0x1;
	[sflag:s21] =	ssyncadd.s32 $0xFFFFE700  }
0x88: {  	_ =	swait.ge @!p0 [sflag:s10], $0xC8  }
0x89: {  	[sflag:s10] =	ssyncset.done @!p0 $0x0  }
0x8a: {  	[sflag:s10] =	ssyncadd.s32 @!p0 $0xFFFFFF38  }
0x8b: {  	_ =	swait.ge @!p0 [sflag:s10], $0xC8  }
0x8c: {  	s25 =	simm.s32 @!p0 $0x320;
	[sflag:s10] =	ssyncset.done @!p0 $0x0  }
0x8d: {  	s24 =	simm.s32 @!p0 $0x190;
	[sflag:s10] =	ssyncadd.s32 @!p0 $0xFFFFFF38;
	s10 =	simm.s32 @!p0 $0x28  }
0x8e: {  	[tilespmem:s25], [sflag:$0x3] =	stream.indirect.gather @!p0 [hbm4b:s1+s10], $0x20, s24, s10, $0xb8;
	[tilespmem:$0x6720] =	vst v63  }
0x8f: {  	s24 =	simm.s32 @!p0 $0x0;
	s25 =	simm.s32 @!p0 $0x3520  }
0x90: {  	[tilespmem:s25], [sflag:$0x3] =	stream.indirect.gather @!p0 [hbm4b:s4+s10], $0x20, s24, s10, $0xb8;
	[tilespmem:$0x6720] =	vst v63  }
0x91: {  	s26 =	simm.s32 @!p0 $0x820;
	s25 =	simm.s32 @!p0 $0x1B8  }
0x92: {  	[tilespmem:s26], [sflag:$0x3] =	stream.indirect.gather @!p0 [hbm4b:s1+s10], $0x20, s25, s10, $0xb8;
	[tilespmem:$0x6720] =	vst v63  }
0x93: {  	s25 =	simm.s32 @!p0 $0x3A20  }
0x94: {  	[tilespmem:s25], [sflag:$0x3] =	stream.indirect.gather @!p0 [hbm4b:s4+s10], $0x20, s10, s10, $0xb8;
	[tilespmem:$0x6720] =	vst v63  }
0x95: {  	s26 =	simm.s32 @!p0 $0xD20;
	s25 =	simm.s32 @!p0 $0x1E0  }
0x96: {  	[tilespmem:s26], [sflag:$0x3] =	stream.indirect.gather @!p0 [hbm4b:s1+s10], $0x20, s25, s10, $0xb8;
	[tilespmem:$0x6720] =	vst v63  }
0x97: {  	s25 =	simm.s32 @!p0 $0x50;
	s26 =	simm.s32 @!p0 $0x3F20  }
0x98: {  	[tilespmem:s26], [sflag:$0x3] =	stream.indirect.gather @!p0 [hbm4b:s4+s10], $0x20, s25, s10, $0xb8;
	[tilespmem:$0x6720] =	vst v63  }
0x99: {  	s25 =	simm.s32 @!p0 $0x208;
	s26 =	simm.s32 @!p0 $0x1220  }
0x9a: {  	[tilespmem:s26], [sflag:$0x3] =	stream.indirect.gather @!p0 [hbm4b:s1+s10], $0x20, s25, s10, $0xb8;
	[tilespmem:$0x6720] =	vst v63  }
0x9b: {  	s25 =	simm.s32 @!p0 $0x78;
	s26 =	simm.s32 @!p0 $0x4420  }
0x9c: {  	[tilespmem:s26], [sflag:$0x3] =	stream.indirect.gather @!p0 [hbm4b:s4+s10], $0x20, s25, s10, $0xb8;
	[tilespmem:$0x6720] =	vst v63  }
0x9d: {  	s25 =	simm.s32 @!p0 $0x230;
	s26 =	simm.s32 @!p0 $0x1720  }
0x9e: {  	[tilespmem:s26], [sflag:$0x3] =	stream.indirect.gather @!p0 [hbm4b:s1+s10], $0x20, s25, s10, $0xb8;
	[tilespmem:$0x6720] =	vst v63  }
0x9f: {  	s25 =	simm.s32 @!p0 $0xA0;
	s26 =	simm.s32 @!p0 $0x4920  }
0xa0: {  	[tilespmem:s26], [sflag:$0x3] =	stream.indirect.gather @!p0 [hbm4b:s4+s10], $0x20, s25, s10, $0xb8;
	[tilespmem:$0x6720] =	vst v63  }
0xa1: {  	s10 =	sadd.s32 @!p0 s23, s15  }
0xa2: {  	s10 =	sshrl.u32 @!p0 s10, $0x3  }
0xa3: {  	s26 =	simm.s32 @!p0 $0xC8;
	s25 =	sadd.s32 @!p0 s5, s10  }
0xa4: {  	[tilespmem:s26], [sflag:$0x2] =	stream.linear.gather @!p0 [hbm4b:s25+s24], $0xC8, $0x38;
	[tilespmem:$0x6720] =	vst v63  }
0xa5: {  	s10 =	sadd.s32 @!p0 s7, s10;
	s25 =	simm.s32 @!p0 $0x258  }
0xa6: {  	[tilespmem:s25], [sflag:$0x2] =	stream.linear.gather @!p0 [hbm4b:s10+s24], $0xC8, $0x38;
	[tilespmem:$0x6720] =	vst v63  }
0xa7: {  	s24 =	simm.s32 $0x1C60  }
0xa8: {  	s25 =	simm.s32 $0x4E60;
	v0 =	vld [tilespmem:s24+$0x20]  }
0xa9: {  	v1 =	vld [tilespmem:s25+$0x20]  }
0xaa: {  	v2 =	vld [tilespmem:s24+$0xFFFFFFE0]  }
0xab: {  	v3 =	vld [tilespmem:s25+$0xFFFFFFE0]  }
0xac: {  	v4 =	vld [tilespmem:s24+$0x0]  }
0xad: {  	v5 =	vld [tilespmem:s25+$0x0]  }
0xae: {  	v6 =	vld [tilespmem:s25+$0xFFFFFFC0];
	v0 =	vadd.f32 v1, v0  }
0xaf: {  	v7 =	vld [tilespmem:s24+$0xFFFFFFC0]  }
0xb0: {  	v8 =	vld [tilespmem:s24+$0x30];
	[tilespmem:s24+$0x20] =	vst v0  }
0xb1: {  	v1 =	vadd.f32 v3, v2;
	v9 =	vld [tilespmem:s25+$0x30]  }
0xb2: {  	v0 =	vld [tilespmem:s24+$0xFFFFFFD0]  }
0xb3: {  	v2 =	vadd.f32 v5, v4;
	[tilespmem:s24+$0xFFFFFFE0] =	vst v1;
	v1 =	vld [tilespmem:s24+$0xFFFFFFF0]  }
0xb4: {  	v4 =	vadd.f32 v6, v7;
	v3 =	vld [tilespmem:s25+$0xFFFFFFF0]  }
0xb5: {  	[tilespmem:s24+$0x0] =	vst v2;
	v2 =	vld [tilespmem:s24+$0x10]  }
0xb6: {  	[tilespmem:s24+$0xFFFFFFC0] =	vst v4;
	v4 =	vld [tilespmem:s25+$0x10];
	v6 =	vadd.f32 v9, v8  }
0xb7: {  	s26 =	simm.s32 $0x1CE0;
	s10 =	simm.s32 $0x0;
	v5 =	vld [tilespmem:s25+$0xFFFFFFD0]  }
.LBB2_5:
0xb8: {  	v7 =	vld [tilespmem:s26+$0x20];
	[tilespmem:s24+$0x30] =	vst v6;
	s25 =	sadd.s32 $0x80, s25  }
0xb9: {  	s10 =	sadd.s32 $0x4, s10;
	v6 =	vld [tilespmem:s25+$0x20];
	v1 =	vadd.f32 v3, v1  }
0xba: {  	p0 =	slt.u32 s10, $0xC4;
	v3 =	vld [tilespmem:s25+$0xFFFFFFC0]  }
0xbb: {  	v8 =	vld [tilespmem:s26+$0xFFFFFFE0];
	[tilespmem:s24+$0xFFFFFFF0] =	vst v1;
	v1 =	vadd.f32 v4, v2  }
0xbc: {  	v2 =	vld [tilespmem:s25+$0xFFFFFFE0];
	v0 =	vadd.f32 v5, v0  }
0xbd: {  	v4 =	vld [tilespmem:s26+$0x0];
	[tilespmem:s24+$0x10] =	vst v1  }
0xbe: {  	v5 =	vld [tilespmem:s25+$0x0];
	v1 =	vadd.f32 v6, v7;
	[tilespmem:s24+$0xFFFFFFD0] =	vst v0;
	s24 =	smov.u32 s26  }
0xbf: {  	v6 =	vld [tilespmem:s26+$0xFFFFFFC0]  }
0xc0: {  	[tilespmem:s26+$0x20] =	vst v1;
	v7 =	vld [tilespmem:s26+$0x30]  }
0xc1: {  	v1 =	vadd.f32 v2, v8;
	v8 =	vld [tilespmem:s25+$0x30]  }
0xc2: {  	v0 =	vld [tilespmem:s26+$0xFFFFFFD0]  }
.Ltmp1:
0xc3: {  	[tilespmem:s26+$0xFFFFFFE0] =	vst v1;
	v1 =	vld [tilespmem:s26+$0xFFFFFFF0];
	v2 =	vadd.f32 v5, v4;
	(pc) =	sbr.rel @p0 .LBB2_5-.Ltmp1, $4  }
0xc4: {  	v4 =	vadd.f32 v3, v6;
	v3 =	vld [tilespmem:s25+$0xFFFFFFF0]  }
0xc5: {  	[tilespmem:s26+$0x0] =	vst v2;
	v2 =	vld [tilespmem:s26+$0x10]  }
0xc6: {  	[tilespmem:s26+$0xFFFFFFC0] =	vst v4;
	v4 =	vld [tilespmem:s25+$0x10];
	v6 =	vadd.f32 v8, v7  }
0xc7: {  	s26 =	sadd.s32 $0x80, s26;
	v5 =	vld [tilespmem:s25+$0xFFFFFFD0]  }
0xc8: {  	_ =	sdelay $0x1  }
0xc9: {  	v1 =	vadd.f32 v3, v1  }
0xca: {  	[tilespmem:s24+$0x30] =	vst v6;
	s10 =	sadd.s32 s23, s9;
	v2 =	vadd.f32 v4, v2  }
0xcb: {  	s22 =	sadd.s32 $0x1, s22;
	s10 =	sshll.u32 s10, $0x2;
	[tilespmem:s24+$0xFFFFFFF0] =	vst v1;
	v0 =	vadd.f32 v5, v0  }
0xcc: {  	p0 =	sne.s32 s22, $0x19;
	s10 =	sand.u32 $0x1FFFFFE0, s10;
	[tilespmem:s24+$0x10] =	vst v2  }
.Ltmp2:
0xcd: {  	s10 =	sadd.s32 s8, s10;
	[tilespmem:s24+$0xFFFFFFD0] =	vst v0;
	(pc) =	sbr.rel @p0 .LBB2_2-.Ltmp2, $4  }
0xce: {  	[hbm4b:s10+s3] =	stream.linear.scatter [tilespmem:s30], [sflag:$0x5], $0x1900, $0x38;
	[tilespmem:$0x6720] =	vst v63  }
0xcf: {  	_ =	swait.ge [sflag:s2], $0x1900  }
0xd0: {  	[sflag:s2] =	ssyncset.done $0x0  }
0xd1: {  	[sflag:s2] =	ssyncadd.s32 $0xFFFFE700  }
0xd2: {  	s22 =	rddreg [dreg:$0x8]  }
0xd3: {  	s10 =	rddreg [dreg:$0x7];
	s22 =	sadd.s32 $0x1, s22  }
0xd4: {  	p0 =	sne.s32 s22, s10  }
.Ltmp3:
0xd5: {  	_ = 	snop;
	(pc) =	sbr.rel @p0 .LBB2_1-.Ltmp3, $1  }
0xd6: {  	_ =	sdelay $0x3  }
0xd7: {  	_ =	sfence.sel $0x180000  }
0xd8: {  	[bflag:$0x0] =	sbarrier.arrive $0xFFFF  }
0xd9: {  	_ =	strace $0x90000047  }
0xda: {  	s0 =	stileid.u32;
	[bflag:$0x2] =	sbarrier.arrive $0xFFFF  }
0xdb: {  	p0 =	sne.s32 s0, $0x0;
	s0 =	rddreg [dreg:$0x2]  }
0xdc: {  	s0 =	sadd.s32 @!p0 $0x100000, s0  }
0xdd: {  	[sflag:s0] =	ssyncadd.tile.s32 @!p0 $0x1;
	_ =	shalt  }
.Lfunc_end2:
_tile_overlayer_lowered:
.L_overlay_start_2:
0xde: {  	(tag) =	ssettag $0x2  }
0xdf: {  	s0 =	rddreg [dreg:$0x0];
	s2 =	stileid.u32  }
0xe0: {  	s1 =	rddreg [dreg:$0x1];
	p0 =	sne.s32 s2, $0x0  }
0xe1: {  	s3 =	rddreg [dreg:$0x2];
	[bflag:$0x3] =	sbarrier.arrive $0xFFFF;
	s2 =	simm.s32 @!p0 $0x1C05  }
0xe2: {  	[timem:s3], [sflag:s2] =	dma.local @!p0 [hbm:s0], s1  }
0xe3: {  	s0 =	simm.s32 @!p0 $0x5  }
0xe4: {  	_ =	swait.ge @!p0 [sflag:s0], s1  }
0xe5: {  	s1 =	ssub.s32 @!p0 $0x0, s1;
	[sflag:s0] =	ssyncset.done @!p0 $0x0  }
0xe6: {  	[sflag:s0] =	ssyncadd.s32 @!p0 s1  }
0xe7: {  	[bflag:$0x3] =	sbarrier.arrive $0xFFFF  }
0xe8: {  	_ =	shalt  }

// kernel: kernel.9.cloned.1.call-start
scs
__scs_entry_jumppad:
0x0: {  	(pc) =	sbr.rel $0x88, $3  }
0x1: {  	(tag) =	ssettag $0x0;
	lr =	simm.s32 $0x1  }
0x2: {  	[smem:$0x3F9A] =	sst lr;
	_ =	strace $0xD0000000  }
0x3: {  	_ = 	snop  }
0x4: {  	_ = 	snop  }
0x5: {  	_ = 	snop  }
0x6: {  	_ = 	snop  }
0x7: {  	_ = 	snop  }
__scs_overlays_trampoline_lowered:
0x8: {  	[smem:$0x3FA9] =	sst s0  }
0x9: {  	[smem:$0x3FAA] =	sst s1  }
0xa: {  	[smem:$0x3FAB] =	sst s2  }
0xb: {  	[smem:$0x3FAC] =	sst s3  }
0xc: {  	[smem:$0x3FAD] =	sst s4  }
0xd: {  	[smem:$0x3FAE] =	sst s5  }
0xe: {  	[smem:$0x3FAF] =	sst s6  }
0xf: {  	[smem:$0x3FB0] =	sst s7  }
0x10: {  	[smem:$0x3FB1] =	sst s8  }
0x11: {  	[smem:$0x3FB2] =	sst s9;
	s0 =	simm.s32 @!p0 $0x0  }
0x12: {  	s1 =	sld [smem:$0x3F98];
	s0 =	simm.s32 @p0 $0x1  }
0x13: {  	[smem:$0x3FB3] =	sst s0;
	s0 =	simm.s32 @!p1 $0x0  }
0x14: {  	s2 =	sld [smem:$0x3F97];
	s0 =	simm.s32 @p1 $0x1  }
0x15: {  	[smem:$0x3FB4] =	sst s0;
	s0 =	simm.s32 @!p2 $0x0  }
0x16: {  	s3 =	sld [smem:$0x3FDB];
	s0 =	simm.s32 @p2 $0x1  }
0x17: {  	s4 =	simm.s32 $0x1BF5;
	[smem:$0x3FB6] =	sst s0  }
0x18: {  	s0 =	sld [smem:$0x3F99];
	_ =	swait.ge [sflag:s4], $0x0  }
0x19: {  	s7 =	sld [smem:$0x3F9A]  }
0x1a: {  	s8 =	sadd.s32 $0xFFFFE003, lr  }
0x1b: {  	s9 =	sadd.s32 $0xFFFFFEF7, lr;
	s5 =	simm.s32 $0xFFFFFFFF;
	p2 =	slt.u32 s8, $0xFFFFF086  }
0x1c: {  	p1 =	slt.u32 s9, $0xF7A;
	s5 =	simm.s32 @!p2 $0x0  }
0x1d: {  	s5 =	simm.s32 @p1 $0x1;
	p0 =	seq.s32 s7, s2  }
0x1e: {  	s7 =	smul.u32 @!p0 $0xF7A, s2;
	p2 =	seq.s32 @!p0 s5, $0x0  }
0x1f: {  	s9 =	smul.u32 $0xF7A, s1;
	s8 =	simm.s32 @!p0 $0x1BF5;
	p2 =	por !p2, p0  }
0x20: {  	[sflag:s8] =	ssyncset.s32 @!p0 $0xFFFFF086;
	s6 =	sadd.s32 @!p0 s3, s7;
	s7 =	simm.s32 @!p0 $0x108  }
0x21: {  	s3 =	sadd.s32 s3, s9;
	s6 =	sadd.s32 @!p0 $0x88, s6;
	s7 =	simm.s32 @p2 $0x1082  }
0x22: {  	[simem:s7], [sflag:s8] =	dma.local @!p0 [hbm:s6], $0xF7A  }
0x23: {  	s9 =	sor.u32 $0xD0000000, s2;
	s6 =	simm.s32 $0x108;
	_ =	swait.ge @!p0 [sflag:s8], $0x0  }
0x24: {  	s3 =	sadd.s32 $0x88, s3;
	s6 =	simm.s32 @!p1 $0x1082;
	[sflag:s4] =	ssyncset.s32 $0xFFFFF086  }
0x25: {  	[simem:s6], [sflag:s4] =	dma.local [hbm:s3], $0xF7A  }
0x26: {  	[smem:$0x3F9A] =	sst s1;
	(tag) =	ssettag s2;
	_ =	strace s9  }
0x27: {  	s1 =	sld [smem:$0x3FAA]  }
0x28: {  	s2 =	sld [smem:$0x3FAB]  }
0x29: {  	s4 =	sld [smem:$0x3FAD]  }
0x2a: {  	p0 =	seq.s32 s5, $0x0;
	s5 =	sld [smem:$0x3FAE]  }
0x2b: {  	s6 =	sld [smem:$0x3FAF]  }
0x2c: {  	s7 =	sld [smem:$0x3FB0]  }
0x2d: {  	s3 =	simm.s32 $0x108;
	s8 =	sld [smem:$0x3FB1]  }
0x2e: {  	s3 =	simm.s32 @!p0 $0x1082;
	s9 =	sld [smem:$0x3FB2]  }
0x2f: {  	lr =	sadd.s32 s0, s3;
	s0 =	sld [smem:$0x3FA9]  }
0x30: {  	s3 =	sld [smem:$0x3FAC]  }
0x31: {  	[smem:$0x3FB5] =	sst s10  }
0x32: {  	s10 =	sld [smem:$0x3FB3];
	_ =	sdelay $0x3  }
0x33: {  	p0 =	seq.s32 s10, $0x1;
	s10 =	sld [smem:$0x3FB5];
	_ =	sdelay $0x3  }
0x34: {  	[smem:$0x3FB5] =	sst s10  }
0x35: {  	s10 =	sld [smem:$0x3FB4];
	_ =	sdelay $0x3  }
0x36: {  	p1 =	seq.s32 s10, $0x1;
	s10 =	sld [smem:$0x3FB5];
	_ =	sdelay $0x3  }
0x37: {  	[smem:$0x3FB5] =	sst s10  }
0x38: {  	s10 =	sld [smem:$0x3FB6]  }
0x39: {  	_ = 	snop;
	(pc) =	sbr.ind lr, $3  }
0x3a: {  	_ = 	snop  }
0x3b: {  	_ = 	snop  }
0x3c: {  	p2 =	seq.s32 s10, $0x1;
	s10 =	sld [smem:$0x3FB5]  }
0x3d: {  	_ =	shalt  }
0x3e: {  	_ =	shalt  }
0x3f: {  	_ =	shalt  }
0x40: {  	_ =	shalt  }
0x41: {  	_ =	shalt  }
0x42: {  	_ =	shalt  }
0x43: {  	_ =	shalt  }
0x44: {  	_ =	shalt  }
0x45: {  	_ =	shalt  }
0x46: {  	_ =	shalt  }
0x47: {  	_ =	shalt  }
0x48: {  	_ =	shalt  }
0x49: {  	_ =	shalt  }
0x4a: {  	_ =	shalt  }
0x4b: {  	_ =	shalt  }
0x4c: {  	_ =	shalt  }
0x4d: {  	_ =	shalt  }
0x4e: {  	_ =	shalt  }
0x4f: {  	_ =	shalt  }
0x50: {  	_ =	shalt  }
0x51: {  	_ =	shalt  }
0x52: {  	_ =	shalt  }
0x53: {  	_ =	shalt  }
0x54: {  	_ =	shalt  }
0x55: {  	_ =	shalt  }
0x56: {  	_ =	shalt  }
0x57: {  	_ =	shalt  }
0x58: {  	_ =	shalt  }
0x59: {  	_ =	shalt  }
0x5a: {  	_ =	shalt  }
0x5b: {  	_ =	shalt  }
0x5c: {  	_ =	shalt  }
0x5d: {  	_ =	shalt  }
0x5e: {  	_ =	shalt  }
0x5f: {  	_ =	shalt  }
0x60: {  	_ =	shalt  }
0x61: {  	_ =	shalt  }
0x62: {  	_ =	shalt  }
0x63: {  	_ =	shalt  }
0x64: {  	_ =	shalt  }
0x65: {  	_ =	shalt  }
0x66: {  	_ =	shalt  }
0x67: {  	_ =	shalt  }
0x68: {  	_ =	shalt  }
0x69: {  	_ =	shalt  }
0x6a: {  	_ =	shalt  }
0x6b: {  	_ =	shalt  }
0x6c: {  	_ =	shalt  }
0x6d: {  	_ =	shalt  }
0x6e: {  	_ =	shalt  }
0x6f: {  	_ =	shalt  }
0x70: {  	_ =	shalt  }
0x71: {  	_ =	shalt  }
0x72: {  	_ =	shalt  }
0x73: {  	_ =	shalt  }
0x74: {  	_ =	shalt  }
0x75: {  	_ =	shalt  }
0x76: {  	_ =	shalt  }
0x77: {  	_ =	shalt  }
0x78: {  	_ =	shalt  }
0x79: {  	_ =	shalt  }
0x7a: {  	_ =	shalt  }
0x7b: {  	_ =	shalt  }
0x7c: {  	_ =	shalt  }
0x7d: {  	_ =	shalt  }
0x7e: {  	_ =	shalt  }
0x7f: {  	_ =	shalt  }
0x80: {  	_ =	shalt  }
0x81: {  	_ =	shalt  }
0x82: {  	_ =	shalt  }
0x83: {  	_ =	shalt  }
0x84: {  	_ =	shalt  }
0x85: {  	_ =	shalt  }
0x86: {  	_ =	shalt  }
0x87: {  	_ =	shalt  }
.Lfunc_end0:
.L_simem_size_0:
called_computation.1_lowered:
.L_overlay_start_0:
0x88: {  	s2 =	sld [smem:$0x3FD9]  }
0x89: {  	s3 =	sld [smem:$0x3FFE];
	_ =	sdelay $0x1  }
0x8a: {  	s1 =	srdreg.scid  }
0x8b: {  	s0 =	sand.u32 $0x1, s1  }
0x8c: {  	s17 =	sshll.u32 s0, $0xA;
	s2 =	sadd.s32 s3, s2  }
0x8d: {  	s2 =	sadd.s32 s2, s17  }
0x8e: {  	[smem:$0x3FC1] =	sst s2  }
0x8f: {  	_ = 	snop  }
0x90: {  	s2 =	sld [smem:$0x3FD0];
	(tm) =	ssettm $0x1  }
0x91: {  	s18 =	sld [smem:$0x3FFB];
	_ =	sdelay $0x3  }
0x92: {  	_ =	strace s18  }
0x93: {  	s3 =	sld [smem:$0x3FFC];
	_ =	sdelay $0x3  }
0x94: {  	_ =	strace s3  }
0x95: {  	s3 =	sld [smem:$0x3FFD];
	_ =	sdelay $0x3  }
0x96: {  	_ =	strace s3  }
0x97: {  	_ =	strace $0x8FFFFFFF  }
0x98: {  	s19 =	sld [smem:$0x3FDB];
	_ =	sdelay $0x1  }
0x99: {  	s4 =	simm.s32 $_scs_section_size  }
0x9a: {  	s5 =	simm.s32 $_size__tile_overlayer_lowered;
	s6 =	simm.s32 $_tile_overlayer_lowered  }
0x9b: {  	s22 =	simm.s32 $0x1BFF;
	s21 =	sshll.u32 s6, $0x1;
	s3 =	sadd.s32 s4, s19  }
0x9c: {  	s7 =	simm.s32 $0x0;
	s20 =	sshll.u32 s5, $0x1;
	s5 =	sadd.s32 s21, s3  }
0x9d: {  	[timem:s7], [sflag:s22] =	dma.local [hbm:s5], s20  }
0x9e: {  	_ =	swait.ge [sflag:s22], s20  }
0x9f: {  	s4 =	ssub.s32 $0x0, s20;
	[sflag:s22] =	ssyncset.done $0x0  }
0xa0: {  	[sflag:s22] =	ssyncadd.s32 s4;
	_ =	sdelay $0x1  }
0xa1: {  	s23 =	simm.s32 $0x1B8B  }
0xa2: {  	_ =	swait.ge [sflag:s23], $0x1  }
0xa3: {  	[sflag:s23] =	ssyncset.done $0x0  }
0xa4: {  	s25 =	simm.s32 $0x1B8E;
	s24 =	sld [smem:$0x3FFE];
	[sflag:s23] =	ssyncadd.s32 $0xFFFFFFFF  }
0xa5: {  	s26 =	simm.s32 $execute0_lowered;
	[smem:$0x3FD2] =	sst s25  }
0xa6: {  	s5 =	sshll.u32 s26, $0x1;
	_ =	strace $0x80000049;
	[dreg:$0x1] =	wrdreg $0xFFFFFFFF  }
0xa7: {  	s28 =	simm.s32 $_size_execute0_lowered;
	s3 =	sadd.s32 s3, s5;
	[dreg:$0x0] =	wrdreg $0x0  }
0xa8: {  	s5 =	sshll.u32 s28, $0x1;
	[dreg:$0x2] =	wrdreg s3  }
0xa9: {  	[dreg:$0x3] =	wrdreg s5  }
0xaa: {  	[dreg:$0x4] =	wrdreg $0xC0  }
0xab: {  	_ =	task [dreg:s7], $0x5FFFF  }
0xac: {  	[dreg:$0x1] =	wrdreg $0xFFFFFFFF  }
0xad: {  	[dreg:$0x0] =	wrdreg $0x60  }
0xae: {  	[dreg:$0x2] =	wrdreg s24  }
0xaf: {  	[dreg:$0x3] =	wrdreg s2  }
0xb0: {  	[dreg:$0x4] =	wrdreg $0x9  }
0xb1: {  	_ =	task.clear_ibuf [dreg:s7], $0x5FFFF;
	_ =	strace $0x90000049  }
0xb2: {  	s29 =	simm.s32 $0x9;
	_ =	strace $0x8000004B  }
0xb3: {  	_ =	swait.ge [sflag:s29], $0x1  }
0xb4: {  	[sflag:s29] =	ssyncadd.s32 $0xFFFFFFFF  }
0xb5: {  	_ =	strace $0x9000004B  }
0xb6: {  	_ =	sfence  }
0xb7: {  	s30 =	sld [smem:$0x0];
	_ =	sdelay $0x2  }
0xb8: {  	s31 =	sshll.u32 s1, $0xD;
	s1 =	sshrl.u32 s1, $0x2  }
0xb9: {  	s3 =	sand.u32 $0x4000, s31;
	s1 =	sadd.s32 s1, s30  }
0xba: {  	s0 =	sor.u32 s3, s0;
	s1 =	sshll.u32 s1, $0x11  }
0xbb: {  	s0 =	sor.u32 s1, s0  }
0xbc: {  	s0 =	sadd.s32 $0x8F2B, s0  }
0xbd: {  	[sflag:s0] =	ssyncadd.remote.s32 $0x1  }
0xbe: {  	_ =	sfence.sel $0xFFFF  }
0xbf: {  	[dreg:$0x0] =	wrdreg $0xFFFFFFFF;
	(pc) =	sbr.abs _section_cstart, $3  }
0xc0: {  	[dreg:$0x1] =	wrdreg $0xFFFFFFFF  }
0xc1: {  	_ =	task.clear_ibuf [dreg:s7], $0x2FFFF;
	_ =	strace $0x9FFFFFFF  }
0xc2: {  	(tm) =	ssettm $0x7FFFFFFF  }
0xc3: {  	_ =	shalt  }
tec
execute0_lowered:
.L_overlay_start_1:
0x0: {  	(tag) =	ssettag $0x1  }
0x1: {  	s5 =	rddreg [dreg:$0x0];
	s1 =	srdreg.scid  }
0x2: {  	s0 =	stileid.u32;
	s10 =	rddreg [dreg:$0x1];
	s15 =	simm.s32 $0x1  }
0x3: {  	s16 =	simm.s32 $0x1900;
	s17 =	simm.s32 $0x2;
	s18 =	simm.s32 $0x3  }
0x4: {  	s19 =	simm.s32 $0x0;
	s6 =	sand.u32 $0x1, s1;
	s2 =	sshll.u32 s0, $0x1  }
0x5: {  	s1 =	rddreg [dreg:$0x2];
	s3 =	sshrl.u32 s0, $0x3;
	s7 =	sor.u32 s6, s2  }
0x6: {  	s2 =	simm.s32 $0x0;
	s9 =	smul.u32 $0x27100, s3;
	s6 =	ssub.s32 $0x2, s6  }
0x7: {  	s4 =	sand.u32 $0xF, s7;
	[smem:$0x7FF] =	sst s2;
	s13 =	smul.u32 $0x4E2, s7  }
0x8: {  	s8 =	sshrl.u32 s6, $0x1;
	s3 =	smul.u32 $0x4E200, s4;
	_ =	strace $0x8000004A  }
0x9: {  	s4 =	sadd.s32 $0x16200, s5;
	s5 =	sadd.s32 $0xC400, s5;
	s12 =	sshrl.u32 s9, $0x3  }
0xa: {  	s14 =	ssub.s32 s6, s8;
	s8 =	sadd.s32 $0x640, s9;
	s6 =	sadd.s32 s5, s12  }
0xb: {  	v0 =	vlaneseq.u32;
	s10 =	sadd.s32 s10, s13;
	s12 =	simm.s32 $0xC80;
	s11 =	sadd.s32 s9, s3  }
0xc: {  	v1 =	vand.u32 $0x7, v0;
	s13 =	simm.s32 $0x640;
	s9 =	sadd.s32 $0xC80, s9;
	s11 =	sshrl.u32 s11, $0x3  }
0xd: {  	v2 =	vimm.f32 $0.0e+00;
	v0 =	vimm.s32 $0xFF80FF80;
	v1 =	vmul.u32 $0x2710, v1;
	s7 =	sadd.s32 s4, s11;
	s11 =	smax.u32 s14, $0x1;
	s14 =	simm.s32 $0x12C0  }
.LBB2_1:
0xe: {  	s20 =	simm.s32 $0x40;
	s21 =	simm.s32 $0x0  }
.LBB2_2:
0xf: {  	p0 =	sne.s32 s20, $0x4E1C0;
	[tilespmem:s21+$0x1900] =	vst v0;
	s21 =	smov.u32 s20;
	s20 =	sadd.s32 $0x40, s20  }
.Ltmp0:
0x10: {  	(pc) =	sbr.rel @p0 .LBB2_2-.Ltmp0, $2  }
0x11: {  	_ =	sdelay $0x2  }
0x12: {  	s21 =	sshra.s32 s21, $0x2  }
0x13: {  	[tilespmem:s21+$0x1900] =	vst v0;
	s20 =	simm.s32 $0x0  }
0x14: {  	[tilespmem:s20], [sflag:$0x1] =	stream.linear.gather [hbm4b:s6+s20], $0x640, $0x38;
	[tilespmem:$0x15180] =	vst v63  }
0x15: {  	_ = 	snop  }
0x16: {  	[tilespmem:s12], [sflag:$0x1] =	stream.linear.gather [hbm4b:s7+s20], $0x640, $0x38;
	[tilespmem:$0x15180] =	vst v63  }
.LBB2_4:
0x17: {  	s21 =	smul.u32 $0xC80, s20;
	_ =	sdelay $0x1  }
0x18: {  	s22 =	sadd.s32 s21, s8  }
0x19: {  	s23 =	sshrl.u32 s22, $0x3;
	s22 =	sadd.s32 s3, s22  }
0x1a: {  	s23 =	sadd.s32 s5, s23;
	s22 =	sshrl.u32 s22, $0x3  }
0x1b: {  	[tilespmem:s13], [sflag:$0x2] =	stream.linear.gather [hbm4b:s23+s2], $0x640, $0x38;
	[tilespmem:$0x15180] =	vst v63  }
0x1c: {  	s22 =	sadd.s32 s4, s22  }
0x1d: {  	[tilespmem:s14], [sflag:$0x2] =	stream.linear.gather [hbm4b:s22+s2], $0x640, $0x38;
	[tilespmem:$0x15180] =	vst v63  }
0x1e: {  	_ =	swait.ge [sflag:s15], $0x640  }
0x1f: {  	[sflag:s15] =	ssyncset.done $0x0  }
0x20: {  	[sflag:s15] =	ssyncadd.s32 $0xFFFFF9C0  }
0x21: {  	_ =	swait.ge [sflag:s15], $0x640  }
0x22: {  	[sflag:s15] =	ssyncset.done $0x0  }
0x23: {  	s31 =	simm.s32 $0x40;
	[sflag:s15] =	ssyncadd.s32 $0xFFFFF9C0  }
0x24: {  	v3 =	vld [tilespmem:s31+$0x30]  }
0x25: {  	v4 =	vld [tilespmem:s31+$0xFFFFFFD0]  }
0x26: {  	v5 =	vld [tilespmem:s31+$0xFFFFFFE0]  }
0x27: {  	v6 =	vld [tilespmem:s31+$0xFFFFFFF0]  }
0x28: {  	v9 =	vld [tilespmem:s31+$0x0]  }
0x29: {  	s23 =	simm.s32 $0xCC0;
	v10 =	vld [tilespmem:s31+$0x20]  }
0x2a: {  	v22 =	vld [tilespmem:s23+$0x30]  }
0x2b: {  	v16 =	vadd.s32 v1, v3;
	v7 =	vadd.s32 v1, v4;
	v4 =	vld [tilespmem:s31+$0xFFFFFFC0]  }
0x2c: {  	v3 =	vld [tilespmem:s31+$0x10]  }
0x2d: {  	v21 =	vld [tilespmem:s23+$0xFFFFFFC0];
	v8 =	vadd.s32 v1, v5  }
0x2e: {  	v20 =	vld [tilespmem:s23+$0xFFFFFFD0];
	v6 =	vadd.s32 v1, v6  }
0x2f: {  	v18 =	vld [tilespmem:s23+$0xFFFFFFE0];
	v5 =	vadd.s32 v1, v9  }
0x30: {  	v17 =	vld.idx.msk [tilespmem:v16+s16+$0x0], $0xffff;
	v14 =	vadd.s32 v1, v4  }
0x31: {  	v3 =	vadd.s32 v1, v3;
	v15 =	vld.idx.msk [tilespmem:v7+s16+$0x0], $0xffff  }
0x32: {  	v4 =	vadd.s32 v1, v10;
	v13 =	vld.idx.msk [tilespmem:v8+s16+$0x0], $0xffff  }
0x33: {  	v11 =	vld.idx.msk [tilespmem:v6+s16+$0x0], $0xffff  }
0x34: {  	v12 =	vld.idx.msk [tilespmem:v5+s16+$0x0], $0xffff  }
0x35: {  	v19 =	vld.idx.msk [tilespmem:v14+s16+$0x0], $0xffff  }
0x36: {  	v9 =	vld.idx.msk [tilespmem:v3+s16+$0x0], $0xffff  }
0x37: {  	v10 =	vld.idx.msk [tilespmem:v4+s16+$0x0], $0xffff  }
0x38: {  	v22 =	vmax.bf16 v17, v22;
	v17 =	vld [tilespmem:s23+$0xFFFFFFF0]  }
0x39: {  	s24 =	simm.s32 $0x0;
	s25 =	simm.s32 $0xC0;
	[tilespmem:v16+s16+$0x0] =	vst.idx.msk $0xffff, v22;
	v16 =	vld [tilespmem:s23+$0x0]  }
.LBB2_5:
0x3a: {  	v22 =	vld [tilespmem:s25+$0x30];
	s24 =	sadd.s32 $0x8, s24;
	v19 =	vmax.bf16 v19, v21  }
0x3b: {  	v21 =	vld [tilespmem:s25+$0xFFFFFFD0];
	p0 =	slt.u32 s24, $0x58;
	[tilespmem:v14+s16+$0x0] =	vst.idx.msk $0xffff, v19;
	v14 =	vmax.bf16 v15, v20  }
0x3c: {  	v15 =	vld [tilespmem:s25+$0xFFFFFFE0];
	[tilespmem:v7+s16+$0x0] =	vst.idx.msk $0xffff, v14;
	v7 =	vmax.bf16 v13, v18  }
0x3d: {  	v13 =	vld [tilespmem:s25+$0xFFFFFFF0];
	[tilespmem:v8+s16+$0x0] =	vst.idx.msk $0xffff, v7;
	v7 =	vmax.bf16 v11, v17  }
0x3e: {  	v11 =	vld [tilespmem:s25+$0x0];
	[tilespmem:v6+s16+$0x0] =	vst.idx.msk $0xffff, v7;
	v6 =	vmax.bf16 v12, v16  }
0x3f: {  	v12 =	vld [tilespmem:s25+$0x10];
	v16 =	vadd.s32 v1, v22;
	[tilespmem:v5+s16+$0x0] =	vst.idx.msk $0xffff, v6  }
0x40: {  	v7 =	vadd.s32 v1, v21;
	v14 =	vld [tilespmem:s25+$0x20]  }
0x41: {  	v17 =	vld [tilespmem:s25+$0xFFFFFFC0];
	v8 =	vadd.s32 v1, v15  }
0x42: {  	v6 =	vadd.s32 v1, v13;
	v18 =	vld [tilespmem:s23+$0x10]  }
0x43: {  	v5 =	vadd.s32 v1, v11;
	v19 =	vld [tilespmem:s23+$0x20]  }
0x44: {  	s23 =	sadd.s32 $0x80, s23;
	v20 =	vadd.s32 v1, v12;
	v21 =	vld.idx.msk [tilespmem:v16+s16+$0x0], $0xffff  }
0x45: {  	v22 =	vadd.s32 v1, v14;
	v23 =	vld [tilespmem:s23+$0x30]  }
0x46: {  	v14 =	vadd.s32 v1, v17;
	v15 =	vld.idx.msk [tilespmem:v7+s16+$0x0], $0xffff  }
0x47: {  	v13 =	vld.idx.msk [tilespmem:v8+s16+$0x0], $0xffff;
	v9 =	vmax.bf16 v9, v18  }
0x48: {  	v11 =	vld.idx.msk [tilespmem:v6+s16+$0x0], $0xffff;
	[tilespmem:v3+s16+$0x0] =	vst.idx.msk $0xffff, v9;
	v9 =	vmax.bf16 v10, v19;
	v3 =	vmov v20  }
0x49: {  	v12 =	vld.idx.msk [tilespmem:v5+s16+$0x0], $0xffff;
	[tilespmem:v4+s16+$0x0] =	vst.idx.msk $0xffff, v9;
	v4 =	vmov v22  }
0x4a: {  	v9 =	vld.idx.msk [tilespmem:v20+s16+$0x0], $0xffff;
	v10 =	vmax.bf16 v21, v23  }
0x4b: {  	s22 =	simm.s32 $0x0;
	v19 =	vld.idx.msk [tilespmem:v14+s16+$0x0], $0xffff;
	[tilespmem:v16+s16+$0x0] =	vst.idx.msk $0xffff, v10  }
0x4c: {  	v10 =	vld.idx.msk [tilespmem:v22+s16+$0x0], $0xffff  }
.Ltmp1:
0x4d: {  	v21 =	vld [tilespmem:s23+$0xFFFFFFC0];
	(pc) =	sbr.rel @p0 .LBB2_5-.Ltmp1, $4  }
0x4e: {  	v20 =	vld [tilespmem:s23+$0xFFFFFFD0]  }
0x4f: {  	v18 =	vld [tilespmem:s23+$0xFFFFFFE0]  }
0x50: {  	v17 =	vld [tilespmem:s23+$0xFFFFFFF0]  }
0x51: {  	s25 =	sadd.s32 $0x80, s25;
	v16 =	vld [tilespmem:s23+$0x0]  }
0x52: {  	_ =	sdelay $0x2  }
0x53: {  	v19 =	vmax.bf16 v19, v21;
	v57 =	vld [tilespmem:s23+$0x10]  }
0x54: {  	v59 =	vld [tilespmem:s23+$0x20];
	[tilespmem:v14+s16+$0x0] =	vst.idx.msk $0xffff, v19;
	v58 =	vmax.bf16 v15, v20  }
0x55: {  	[tilespmem:v7+s16+$0x0] =	vst.idx.msk $0xffff, v58;
	v60 =	vmax.bf16 v13, v18  }
0x56: {  	[tilespmem:v8+s16+$0x0] =	vst.idx.msk $0xffff, v60;
	v61 =	vmax.bf16 v11, v17  }
0x57: {  	[tilespmem:v6+s16+$0x0] =	vst.idx.msk $0xffff, v61;
	v62 =	vmax.bf16 v12, v16  }
0x58: {  	[tilespmem:v5+s16+$0x0] =	vst.idx.msk $0xffff, v62;
	v63 =	vmax.bf16 v9, v57  }
0x59: {  	[tilespmem:v3+s16+$0x0] =	vst.idx.msk $0xffff, v63;
	v3 =	vmax.bf16 v10, v59  }
0x5a: {  	s23 =	simm.s32 $0x0;
	[tilespmem:v4+s16+$0x0] =	vst.idx.msk $0xffff, v3  }
.LBB2_7:
0x5b: {  	s24 =	sshra.s32 s23, $0x2  }
0x5c: {  	v3 =	vld [tilespmem:s24+$0x600];
	_ =	sdelay $0x4  }
0x5d: {  	v3 =	vadd.s32 v1, v3;
	_ =	sdelay $0x3  }
0x5e: {  	v4 =	vld [tilespmem:s24+$0x1280]  }
0x5f: {  	v5 =	vld.idx.msk [tilespmem:v3+s16+$0x0], $0xffff  }
0x60: {  	p0 =	sne.s32 s23, $0xC0  }
.Ltmp2:
0x61: {  	_ = 	snop;
	(pc) =	sbr.rel @p0 .LBB2_7-.Ltmp2, $3  }
0x62: {  	_ =	sdelay $0x1  }
0x63: {  	v4 =	vmax.bf16 v5, v4  }
0x64: {  	s23 =	sadd.s32 $0x40, s23;
	[tilespmem:v3+s16+$0x0] =	vst.idx.msk $0xffff, v4;
	v3 =	vimm.f32 $0.0e+00  }
.LBB2_8:
0x65: {  	s23 =	sshll.u32 s22, $0x4  }
0x66: {  	v4 =	vld [tilespmem:s23+$0x0]  }
0x67: {  	v7 =	vld [tilespmem:s23+$0xC80]  }
0x68: {  	v10 =	vld [tilespmem:s23+$0xC90]  }
0x69: {  	v14 =	vld [tilespmem:s23+$0xCA0]  }
0x6a: {  	v18 =	vld [tilespmem:s23+$0xCB0]  }
0x6b: {  	v20 =	vld [tilespmem:s23+$0xCC0]  }
0x6c: {  	s24 =	sor.u32 $0x10, s23;
	v22 =	vld [tilespmem:s23+$0xCD0]  }
0x6d: {  	s31 =	sor.u32 $0x20, s23;
	v5 =	vld [tilespmem:s24+$0x0]  }
0x6e: {  	s25 =	sor.u32 $0x30, s23;
	v6 =	vld [tilespmem:s31+$0x0]  }
0x6f: {  	s26 =	sor.u32 $0x40, s23;
	v9 =	vld [tilespmem:s25+$0x0]  }
0x70: {  	s28 =	sor.u32 $0x50, s23;
	v11 =	vld [tilespmem:s26+$0x0]  }
0x71: {  	s29 =	sor.u32 $0x60, s23;
	v13 =	vld [tilespmem:s28+$0x0];
	v4 =	vadd.s32 v1, v4  }
0x72: {  	s30 =	sor.u32 $0x70, s23;
	v15 =	vld [tilespmem:s29+$0x0];
	v5 =	vadd.s32 v1, v5  }
0x73: {  	v17 =	vld [tilespmem:s30+$0x0];
	v6 =	vadd.s32 v1, v6  }
0x74: {  	v24 =	vld [tilespmem:s23+$0xCE0];
	v9 =	vadd.s32 v1, v9  }
0x75: {  	v55 =	vld [tilespmem:s23+$0xCF0];
	v11 =	vadd.s32 v1, v11  }
0x76: {  	v13 =	vadd.s32 v1, v13;
	v8 =	vld.idx.msk [tilespmem:v4+s16+$0x0], $0xffff  }
0x77: {  	v15 =	vadd.s32 v1, v15;
	v12 =	vld.idx.msk [tilespmem:v5+s16+$0x0], $0xffff  }
0x78: {  	v17 =	vadd.s32 v1, v17;
	v16 =	vld.idx.msk [tilespmem:v6+s16+$0x0], $0xffff  }
0x79: {  	v19 =	vld.idx.msk [tilespmem:v9+s16+$0x0], $0xffff  }
0x7a: {  	v21 =	vld.idx.msk [tilespmem:v11+s16+$0x0], $0xffff  }
0x7b: {  	v23 =	vld.idx.msk [tilespmem:v13+s16+$0x0], $0xffff  }
0x7c: {  	v25 =	vld.idx.msk [tilespmem:v15+s16+$0x0], $0xffff;
	v7 =	vmax.bf16 v8, v7  }
0x7d: {  	v57 =	vld.idx.msk [tilespmem:v17+s16+$0x0], $0xffff;
	vm0 =	vne.s32 v8, v7;
	v54 =	vmax.bf16 v12, v10  }
0x7e: {  	v56 =	vmax.bf16 v16, v14;
	vm1 =	vne.s32 v12, v54  }
0x7f: {  	v58 =	vmax.bf16 v19, v18;
	vm2 =	vne.s32 v16, v56  }
0x80: {  	v59 =	vmax.bf16 v21, v20;
	vm3 =	vne.s32 v19, v58  }
0x81: {  	v61 =	vmax.bf16 v23, v22;
	v62 =	vmax.bf16 v25, v24;
	vm4 =	vne.s32 v21, v59  }
0x82: {  	v63 =	vmax.bf16 v57, v55;
	v60 =	vsel vm0, $0x3F800000, v2;
	vm5 =	vne.s32 v23, v61  }
0x83: {  	vm14 =	vne.s32 v25, v62;
	v3 =	vmax.f32 v3, v60;
	[tilespmem:v4+s16+$0x0] =	vst.idx.msk vm0, v7;
	v4 =	vsel vm1, $0x3F800000, v2  }
0x84: {  	vm15 =	vne.s32 v57, v63;
	[tilespmem:v5+s16+$0x0] =	vst.idx.msk vm1, v54;
	v3 =	vmax.f32 v3, v4;
	v4 =	vsel vm2, $0x3F800000, v2  }
0x85: {  	p0 =	slt.u32 s22, $0x58;
	[tilespmem:v6+s16+$0x0] =	vst.idx.msk vm2, v56;
	v3 =	vmax.f32 v3, v4;
	v4 =	vsel vm3, $0x3F800000, v2  }
.Ltmp3:
0x86: {  	[tilespmem:v9+s16+$0x0] =	vst.idx.msk vm3, v58;
	v3 =	vmax.f32 v3, v4;
	v4 =	vsel vm4, $0x3F800000, v2;
	(pc) =	sbr.rel @p0 .LBB2_8-.Ltmp3, $4  }
0x87: {  	[tilespmem:v11+s16+$0x0] =	vst.idx.msk vm4, v59;
	v3 =	vmax.f32 v3, v4;
	v4 =	vsel vm5, $0x3F800000, v2  }
0x88: {  	[tilespmem:v13+s16+$0x0] =	vst.idx.msk vm5, v61;
	v3 =	vmax.f32 v3, v4;
	v4 =	vsel vm14, $0x3F800000, v2  }
0x89: {  	s31 =	sadd.s32 $0x8, s22;
	[tilespmem:v15+s16+$0x0] =	vst.idx.msk vm14, v62;
	v3 =	vmax.f32 v3, v4;
	v4 =	vsel vm15, $0x3F800000, v2  }
0x8a: {  	s23 =	simm.s32 $0x0;
	s22 =	smov.u32 s31;
	[tilespmem:v17+s16+$0x0] =	vst.idx.msk vm15, v63;
	v3 =	vmax.f32 v3, v4  }
.LBB2_9:
0x8b: {  	s22 =	sshra.s32 s23, $0x2  }
0x8c: {  	v4 =	vld [tilespmem:s22+$0x600];
	_ =	sdelay $0x4  }
0x8d: {  	v4 =	vadd.s32 v1, v4;
	_ =	sdelay $0x3  }
0x8e: {  	v5 =	vld [tilespmem:s22+$0x1280]  }
0x8f: {  	v6 =	vld.idx.msk [tilespmem:v4+s16+$0x0], $0xffff;
	_ =	sdelay $0x4  }
0x90: {  	v5 =	vmax.bf16 v6, v5  }
0x91: {  	vm0 =	vne.s32 v6, v5  }
0x92: {  	p0 =	sne.s32 s23, $0xC0  }
.Ltmp4:
0x93: {  	_ = 	snop;
	(pc) =	sbr.rel @p0 .LBB2_9-.Ltmp4, $3  }
0x94: {  	_ =	sdelay $0x1  }
0x95: {  	v6 =	vsel vm0, $0x3F800000, v2  }
0x96: {  	s23 =	sadd.s32 $0x40, s23;
	v3 =	vmax.f32 v3, v6;
	[tilespmem:v4+s16+$0x0] =	vst.idx.msk vm0, v5  }
0x97: {  	(xrf0) =	vmax.scan.msk.f32 $0xffff, v3;
	_ =	sdelay $0x5  }
0x98: {  	v3, _, _ =	vpop (xrf0)  }
0x99: {  	(v2sf) =	vpush v3, $0xF;
	_ =	sdelay $0xe  }
0x9a: {  	s22 =	spop (v2sf)  }
0x9b: {  	p0 =	sgt.f32 s22, $0.0e+00  }
.Ltmp5:
0x9c: {  	_ = 	snop;
	(pc) =	sbr.rel @p0 .LBB2_8-.Ltmp5, $2  }
0x9d: {  	_ =	sdelay $0x2  }
0x9e: {  	v3 =	vimm.f32 $0.0e+00;
	s22 =	simm.s32 $0x0  }
0x9f: {  	p0 =	seq.s32 s20, $0x31  }
0xa0: {  	s21 =	sadd.s32 @!p0 s21, s9  }
0xa1: {  	s22 =	sshrl.u32 @!p0 s21, $0x3;
	s21 =	sadd.s32 @!p0 s3, s21  }
0xa2: {  	s23 =	simm.s32 @!p0 $0x0;
	s22 =	sadd.s32 @!p0 s5, s22;
	s21 =	sshrl.u32 @!p0 s21, $0x3  }
0xa3: {  	[tilespmem:s23], [sflag:$0x1] =	stream.linear.gather @!p0 [hbm4b:s22+s23], $0x640, $0x38;
	[tilespmem:$0x15180] =	vst v63  }
0xa4: {  	s21 =	sadd.s32 @!p0 s4, s21;
	s22 =	simm.s32 @!p0 $0xC80  }
0xa5: {  	[tilespmem:s22], [sflag:$0x1] =	stream.linear.gather @!p0 [hbm4b:s21+s23], $0x640, $0x38;
	[tilespmem:$0x15180] =	vst v63  }
0xa6: {  	_ =	swait.ge [sflag:s17], $0x640  }
0xa7: {  	[sflag:s17] =	ssyncset.done $0x0  }
0xa8: {  	[sflag:s17] =	ssyncadd.s32 $0xFFFFF9C0  }
0xa9: {  	_ =	swait.ge [sflag:s17], $0x640  }
0xaa: {  	[sflag:s17] =	ssyncset.done $0x0  }
0xab: {  	s31 =	simm.s32 $0x680;
	[sflag:s17] =	ssyncadd.s32 $0xFFFFF9C0  }
0xac: {  	v3 =	vld [tilespmem:s31+$0x30]  }
0xad: {  	v4 =	vld [tilespmem:s31+$0xFFFFFFD0]  }
0xae: {  	v5 =	vld [tilespmem:s31+$0xFFFFFFE0]  }
0xaf: {  	v6 =	vld [tilespmem:s31+$0xFFFFFFF0]  }
0xb0: {  	v9 =	vld [tilespmem:s31+$0x0]  }
0xb1: {  	s22 =	simm.s32 $0x1300;
	v10 =	vld [tilespmem:s31+$0x20]  }
0xb2: {  	v22 =	vld [tilespmem:s22+$0x30]  }
0xb3: {  	v16 =	vadd.s32 v1, v3;
	v7 =	vadd.s32 v1, v4;
	v4 =	vld [tilespmem:s31+$0xFFFFFFC0]  }
0xb4: {  	v3 =	vld [tilespmem:s31+$0x10]  }
0xb5: {  	v21 =	vld [tilespmem:s22+$0xFFFFFFC0];
	v8 =	vadd.s32 v1, v5  }
0xb6: {  	v20 =	vld [tilespmem:s22+$0xFFFFFFD0];
	v6 =	vadd.s32 v1, v6  }
0xb7: {  	v18 =	vld [tilespmem:s22+$0xFFFFFFE0];
	v5 =	vadd.s32 v1, v9  }
0xb8: {  	v17 =	vld.idx.msk [tilespmem:v16+s16+$0x0], $0xffff;
	v14 =	vadd.s32 v1, v4  }
0xb9: {  	v3 =	vadd.s32 v1, v3;
	v15 =	vld.idx.msk [tilespmem:v7+s16+$0x0], $0xffff  }
0xba: {  	v4 =	vadd.s32 v1, v10;
	v13 =	vld.idx.msk [tilespmem:v8+s16+$0x0], $0xffff  }
0xbb: {  	v11 =	vld.idx.msk [tilespmem:v6+s16+$0x0], $0xffff  }
0xbc: {  	v12 =	vld.idx.msk [tilespmem:v5+s16+$0x0], $0xffff  }
0xbd: {  	v19 =	vld.idx.msk [tilespmem:v14+s16+$0x0], $0xffff  }
0xbe: {  	v9 =	vld.idx.msk [tilespmem:v3+s16+$0x0], $0xffff  }
0xbf: {  	v10 =	vld.idx.msk [tilespmem:v4+s16+$0x0], $0xffff  }
0xc0: {  	v22 =	vmax.bf16 v17, v22;
	v17 =	vld [tilespmem:s22+$0xFFFFFFF0]  }
0xc1: {  	s24 =	simm.s32 $0x700;
	s23 =	simm.s32 $0x0;
	[tilespmem:v16+s16+$0x0] =	vst.idx.msk $0xffff, v22;
	v16 =	vld [tilespmem:s22+$0x0]  }
.LBB2_12:
0xc2: {  	v22 =	vld [tilespmem:s24+$0x30];
	s23 =	sadd.s32 $0x8, s23;
	v19 =	vmax.bf16 v19, v21  }
0xc3: {  	v21 =	vld [tilespmem:s24+$0xFFFFFFD0];
	p0 =	slt.u32 s23, $0x58;
	[tilespmem:v14+s16+$0x0] =	vst.idx.msk $0xffff, v19;
	v14 =	vmax.bf16 v15, v20  }
0xc4: {  	v15 =	vld [tilespmem:s24+$0xFFFFFFE0];
	[tilespmem:v7+s16+$0x0] =	vst.idx.msk $0xffff, v14;
	v7 =	vmax.bf16 v13, v18  }
0xc5: {  	v13 =	vld [tilespmem:s24+$0xFFFFFFF0];
	[tilespmem:v8+s16+$0x0] =	vst.idx.msk $0xffff, v7;
	v7 =	vmax.bf16 v11, v17  }
0xc6: {  	v11 =	vld [tilespmem:s24+$0x0];
	[tilespmem:v6+s16+$0x0] =	vst.idx.msk $0xffff, v7;
	v6 =	vmax.bf16 v12, v16  }
0xc7: {  	v12 =	vld [tilespmem:s24+$0x10];
	v16 =	vadd.s32 v1, v22;
	[tilespmem:v5+s16+$0x0] =	vst.idx.msk $0xffff, v6  }
0xc8: {  	v7 =	vadd.s32 v1, v21;
	v14 =	vld [tilespmem:s24+$0x20]  }
0xc9: {  	v17 =	vld [tilespmem:s24+$0xFFFFFFC0];
	v8 =	vadd.s32 v1, v15  }
0xca: {  	v6 =	vadd.s32 v1, v13;
	v18 =	vld [tilespmem:s22+$0x10]  }
0xcb: {  	v5 =	vadd.s32 v1, v11;
	v19 =	vld [tilespmem:s22+$0x20]  }
0xcc: {  	s22 =	sadd.s32 $0x80, s22;
	v20 =	vadd.s32 v1, v12;
	v21 =	vld.idx.msk [tilespmem:v16+s16+$0x0], $0xffff  }
0xcd: {  	v22 =	vadd.s32 v1, v14;
	v23 =	vld [tilespmem:s22+$0x30]  }
0xce: {  	v14 =	vadd.s32 v1, v17;
	v15 =	vld.idx.msk [tilespmem:v7+s16+$0x0], $0xffff  }
0xcf: {  	v13 =	vld.idx.msk [tilespmem:v8+s16+$0x0], $0xffff;
	v9 =	vmax.bf16 v9, v18  }
0xd0: {  	v11 =	vld.idx.msk [tilespmem:v6+s16+$0x0], $0xffff;
	[tilespmem:v3+s16+$0x0] =	vst.idx.msk $0xffff, v9;
	v9 =	vmax.bf16 v10, v19;
	v3 =	vmov v20  }
0xd1: {  	v12 =	vld.idx.msk [tilespmem:v5+s16+$0x0], $0xffff;
	[tilespmem:v4+s16+$0x0] =	vst.idx.msk $0xffff, v9;
	v4 =	vmov v22  }
0xd2: {  	v9 =	vld.idx.msk [tilespmem:v20+s16+$0x0], $0xffff;
	v10 =	vmax.bf16 v21, v23  }
0xd3: {  	s21 =	simm.s32 $0x0;
	v19 =	vld.idx.msk [tilespmem:v14+s16+$0x0], $0xffff;
	[tilespmem:v16+s16+$0x0] =	vst.idx.msk $0xffff, v10  }
0xd4: {  	v10 =	vld.idx.msk [tilespmem:v22+s16+$0x0], $0xffff  }
.Ltmp6:
0xd5: {  	v21 =	vld [tilespmem:s22+$0xFFFFFFC0];
	(pc) =	sbr.rel @p0 .LBB2_12-.Ltmp6, $4  }
0xd6: {  	v20 =	vld [tilespmem:s22+$0xFFFFFFD0]  }
0xd7: {  	v18 =	vld [tilespmem:s22+$0xFFFFFFE0]  }
0xd8: {  	v17 =	vld [tilespmem:s22+$0xFFFFFFF0]  }
0xd9: {  	s24 =	sadd.s32 $0x80, s24;
	v16 =	vld [tilespmem:s22+$0x0]  }
0xda: {  	_ =	sdelay $0x2  }
0xdb: {  	v19 =	vmax.bf16 v19, v21;
	v57 =	vld [tilespmem:s22+$0x10]  }
0xdc: {  	v59 =	vld [tilespmem:s22+$0x20];
	[tilespmem:v14+s16+$0x0] =	vst.idx.msk $0xffff, v19;
	v58 =	vmax.bf16 v15, v20  }
0xdd: {  	[tilespmem:v7+s16+$0x0] =	vst.idx.msk $0xffff, v58;
	v60 =	vmax.bf16 v13, v18  }
0xde: {  	[tilespmem:v8+s16+$0x0] =	vst.idx.msk $0xffff, v60;
	v61 =	vmax.bf16 v11, v17  }
0xdf: {  	[tilespmem:v6+s16+$0x0] =	vst.idx.msk $0xffff, v61;
	v62 =	vmax.bf16 v12, v16  }
0xe0: {  	[tilespmem:v5+s16+$0x0] =	vst.idx.msk $0xffff, v62;
	v63 =	vmax.bf16 v9, v57  }
0xe1: {  	[tilespmem:v3+s16+$0x0] =	vst.idx.msk $0xffff, v63;
	v3 =	vmax.bf16 v10, v59  }
0xe2: {  	s22 =	simm.s32 $0x0;
	[tilespmem:v4+s16+$0x0] =	vst.idx.msk $0xffff, v3  }
.LBB2_14:
0xe3: {  	s23 =	sshra.s32 s22, $0x2  }
0xe4: {  	v3 =	vld [tilespmem:s23+$0xC40];
	_ =	sdelay $0x4  }
0xe5: {  	v3 =	vadd.s32 v1, v3;
	_ =	sdelay $0x3  }
0xe6: {  	v4 =	vld [tilespmem:s23+$0x18C0]  }
0xe7: {  	v5 =	vld.idx.msk [tilespmem:v3+s16+$0x0], $0xffff  }
0xe8: {  	p0 =	sne.s32 s22, $0xC0  }
.Ltmp7:
0xe9: {  	_ = 	snop;
	(pc) =	sbr.rel @p0 .LBB2_14-.Ltmp7, $3  }
0xea: {  	_ =	sdelay $0x1  }
0xeb: {  	v4 =	vmax.bf16 v5, v4  }
0xec: {  	s22 =	sadd.s32 $0x40, s22;
	[tilespmem:v3+s16+$0x0] =	vst.idx.msk $0xffff, v4;
	v3 =	vimm.f32 $0.0e+00  }
.LBB2_15:
0xed: {  	s22 =	sshll.u32 s21, $0x4  }
0xee: {  	v4 =	vld [tilespmem:s22+$0x640]  }
0xef: {  	v5 =	vld [tilespmem:s22+$0x650]  }
0xf0: {  	v6 =	vld [tilespmem:s22+$0x660]  }
0xf1: {  	v7 =	vld [tilespmem:s22+$0x12C0]  }
0xf2: {  	v9 =	vld [tilespmem:s22+$0x670]  }
0xf3: {  	v10 =	vld [tilespmem:s22+$0x12D0]  }
0xf4: {  	v11 =	vld [tilespmem:s22+$0x680]  }
0xf5: {  	v13 =	vld [tilespmem:s22+$0x690]  }
0xf6: {  	v14 =	vld [tilespmem:s22+$0x12E0]  }
0xf7: {  	v15 =	vld [tilespmem:s22+$0x6A0]  }
0xf8: {  	v17 =	vld [tilespmem:s22+$0x6B0]  }
0xf9: {  	v18 =	vld [tilespmem:s22+$0x12F0];
	v4 =	vadd.s32 v1, v4  }
0xfa: {  	v20 =	vld [tilespmem:s22+$0x1300];
	v5 =	vadd.s32 v1, v5  }
0xfb: {  	v22 =	vld [tilespmem:s22+$0x1310];
	v6 =	vadd.s32 v1, v6  }
0xfc: {  	v24 =	vld [tilespmem:s22+$0x1320];
	v9 =	vadd.s32 v1, v9  }
0xfd: {  	v55 =	vld [tilespmem:s22+$0x1330];
	v11 =	vadd.s32 v1, v11  }
0xfe: {  	v13 =	vadd.s32 v1, v13;
	v8 =	vld.idx.msk [tilespmem:v4+s16+$0x0], $0xffff  }
0xff: {  	v15 =	vadd.s32 v1, v15;
	v12 =	vld.idx.msk [tilespmem:v5+s16+$0x0], $0xffff  }
0x100: {  	v17 =	vadd.s32 v1, v17;
	v16 =	vld.idx.msk [tilespmem:v6+s16+$0x0], $0xffff  }
0x101: {  	v19 =	vld.idx.msk [tilespmem:v9+s16+$0x0], $0xffff  }
0x102: {  	v21 =	vld.idx.msk [tilespmem:v11+s16+$0x0], $0xffff  }
0x103: {  	v23 =	vld.idx.msk [tilespmem:v13+s16+$0x0], $0xffff  }
0x104: {  	v25 =	vld.idx.msk [tilespmem:v15+s16+$0x0], $0xffff;
	v7 =	vmax.bf16 v8, v7  }
0x105: {  	v57 =	vld.idx.msk [tilespmem:v17+s16+$0x0], $0xffff;
	v54 =	vmax.bf16 v12, v10;
	vm0 =	vne.s32 v8, v7  }
0x106: {  	v56 =	vmax.bf16 v16, v14;
	vm1 =	vne.s32 v12, v54  }
0x107: {  	v58 =	vmax.bf16 v19, v18;
	vm2 =	vne.s32 v16, v56  }
0x108: {  	v59 =	vmax.bf16 v21, v20;
	vm3 =	vne.s32 v19, v58  }
0x109: {  	v61 =	vmax.bf16 v23, v22;
	v62 =	vmax.bf16 v25, v24;
	vm4 =	vne.s32 v21, v59  }
0x10a: {  	v63 =	vmax.bf16 v57, v55;
	vm5 =	vne.s32 v23, v61;
	v60 =	vsel vm0, $0x3F800000, v2  }
0x10b: {  	vm14 =	vne.s32 v25, v62;
	v3 =	vmax.f32 v3, v60;
	[tilespmem:v4+s16+$0x0] =	vst.idx.msk vm0, v7;
	v4 =	vsel vm1, $0x3F800000, v2  }
0x10c: {  	vm15 =	vne.s32 v57, v63;
	[tilespmem:v5+s16+$0x0] =	vst.idx.msk vm1, v54;
	v3 =	vmax.f32 v3, v4;
	v4 =	vsel vm2, $0x3F800000, v2  }
0x10d: {  	p0 =	slt.u32 s21, $0x58;
	[tilespmem:v6+s16+$0x0] =	vst.idx.msk vm2, v56;
	v3 =	vmax.f32 v3, v4;
	v4 =	vsel vm3, $0x3F800000, v2  }
.Ltmp8:
0x10e: {  	[tilespmem:v9+s16+$0x0] =	vst.idx.msk vm3, v58;
	v3 =	vmax.f32 v3, v4;
	v4 =	vsel vm4, $0x3F800000, v2;
	(pc) =	sbr.rel @p0 .LBB2_15-.Ltmp8, $4  }
0x10f: {  	[tilespmem:v11+s16+$0x0] =	vst.idx.msk vm4, v59;
	v3 =	vmax.f32 v3, v4;
	v4 =	vsel vm5, $0x3F800000, v2  }
0x110: {  	[tilespmem:v13+s16+$0x0] =	vst.idx.msk vm5, v61;
	v3 =	vmax.f32 v3, v4;
	v4 =	vsel vm14, $0x3F800000, v2  }
0x111: {  	s23 =	sadd.s32 $0x8, s21;
	[tilespmem:v15+s16+$0x0] =	vst.idx.msk vm14, v62;
	v3 =	vmax.f32 v3, v4;
	v4 =	vsel vm15, $0x3F800000, v2  }
0x112: {  	s22 =	simm.s32 $0x0;
	s21 =	smov.u32 s23;
	[tilespmem:v17+s16+$0x0] =	vst.idx.msk vm15, v63;
	v3 =	vmax.f32 v3, v4  }
.LBB2_16:
0x113: {  	s21 =	sshra.s32 s22, $0x2  }
0x114: {  	v4 =	vld [tilespmem:s21+$0xC40];
	_ =	sdelay $0x4  }
0x115: {  	v4 =	vadd.s32 v1, v4;
	_ =	sdelay $0x3  }
0x116: {  	v5 =	vld [tilespmem:s21+$0x18C0]  }
0x117: {  	v6 =	vld.idx.msk [tilespmem:v4+s16+$0x0], $0xffff;
	_ =	sdelay $0x4  }
0x118: {  	v5 =	vmax.bf16 v6, v5  }
0x119: {  	vm0 =	vne.s32 v6, v5  }
0x11a: {  	p0 =	sne.s32 s22, $0xC0  }
.Ltmp9:
0x11b: {  	_ = 	snop;
	(pc) =	sbr.rel @p0 .LBB2_16-.Ltmp9, $3  }
0x11c: {  	_ =	sdelay $0x1  }
0x11d: {  	v6 =	vsel vm0, $0x3F800000, v2  }
0x11e: {  	s22 =	sadd.s32 $0x40, s22;
	v3 =	vmax.f32 v3, v6;
	[tilespmem:v4+s16+$0x0] =	vst.idx.msk vm0, v5  }
0x11f: {  	(xrf0) =	vmax.scan.msk.f32 $0xffff, v3;
	_ =	sdelay $0x5  }
0x120: {  	v3, _, _ =	vpop (xrf0)  }
0x121: {  	(v2sf) =	vpush v3, $0xF;
	_ =	sdelay $0xe  }
0x122: {  	s21 =	spop (v2sf)  }
0x123: {  	p0 =	sgt.f32 s21, $0.0e+00  }
.Ltmp10:
0x124: {  	_ = 	snop;
	(pc) =	sbr.rel @p0 .LBB2_15-.Ltmp10, $2  }
0x125: {  	_ =	sdelay $0x2  }
0x126: {  	v3 =	vimm.f32 $0.0e+00;
	s21 =	simm.s32 $0x0  }
0x127: {  	s20 =	sadd.s32 $0x1, s20  }
0x128: {  	p0 =	sne.s32 s20, $0x32  }
.Ltmp11:
0x129: {  	_ = 	snop;
	(pc) =	sbr.rel @p0 .LBB2_4-.Ltmp11, $1  }
0x12a: {  	_ =	sdelay $0x3  }
0x12b: {  	s20 =	simm.s32 $0x0  }
0x12c: {  	s21 =	simm.s32 $0x40;
	v3 =	vld [tilespmem:s20+$0x4010]  }
.LBB2_20:
0x12d: {  	p0 =	sne.s32 s21, $0x9C00;
	v4 =	vld [tilespmem:s20+$0x1900]  }
0x12e: {  	v5 =	vld [tilespmem:s20+$0x6720]  }
0x12f: {  	v6 =	vld [tilespmem:s20+$0x8E30]  }
0x130: {  	v7 =	vld [tilespmem:s20+$0xB540]  }
0x131: {  	v8 =	vld [tilespmem:s20+$0xDC50]  }
0x132: {  	v3 =	vmax.bf16 v4, v3;
	v4 =	vld [tilespmem:s20+$0x10360]  }
0x133: {  	v3 =	vmax.bf16 v3, v5;
	v5 =	vld [tilespmem:s20+$0x12A70]  }
0x134: {  	v3 =	vmax.bf16 v3, v6  }
.Ltmp12:
0x135: {  	v3 =	vmax.bf16 v3, v7;
	(pc) =	sbr.rel @p0 .LBB2_20-.Ltmp12, $4  }
0x136: {  	v3 =	vmax.bf16 v3, v8  }
0x137: {  	v3 =	vmax.bf16 v3, v4  }
0x138: {  	s22 =	sshra.s32 s21, $0x2;
	v4 =	vmax.bf16 v3, v5  }
0x139: {  	s21 =	sadd.s32 $0x40, s21;
	v3 =	vld [tilespmem:s22+$0x4010];
	[tilespmem:s20+$0x1900] =	vst v4;
	s20 =	smov.u32 s22  }
0x13a: {  	v4 =	vld [tilespmem:s20+$0x1900]  }
0x13b: {  	v5 =	vld [tilespmem:s20+$0x6720]  }
0x13c: {  	v6 =	vld [tilespmem:s20+$0x8E30]  }
0x13d: {  	v7 =	vld [tilespmem:s20+$0xB540]  }
0x13e: {  	v8 =	vld [tilespmem:s20+$0xDC50]  }
0x13f: {  	v62 =	vld [tilespmem:s20+$0x10360];
	v3 =	vmax.bf16 v4, v3  }
0x140: {  	v63 =	vld [tilespmem:s20+$0x12A70];
	v3 =	vmax.bf16 v3, v5  }
0x141: {  	v3 =	vmax.bf16 v3, v6  }
0x142: {  	v3 =	vmax.bf16 v3, v7  }
0x143: {  	v3 =	vmax.bf16 v3, v8  }
0x144: {  	s19 =	sadd.s32 $0x1, s19;
	v3 =	vmax.bf16 v3, v62  }
0x145: {  	p0 =	sne.s32 s19, s11;
	v3 =	vmax.bf16 v3, v63  }
.Ltmp13:
0x146: {  	[tilespmem:s20+$0x1900] =	vst v3;
	(pc) =	sbr.rel @p0 .LBB2_1-.Ltmp13, $4  }
0x147: {  	[hbm4b:s10+s2] =	stream.linear.scatter [tilespmem:s16], [sflag:$0x3], $0x2710, $0x38;
	[tilespmem:$0x15180] =	vst v63  }
0x148: {  	_ =	swait.ge [sflag:s18], $0x2710  }
0x149: {  	[sflag:s18] =	ssyncset.done $0x0  }
0x14a: {  	[sflag:s18] =	ssyncadd.s32 $0xFFFFD8F0  }
0x14b: {  	_ =	sfence.sel $0x180000  }
0x14c: {  	[bflag:$0x0] =	sbarrier.arrive $0xFFFF  }
0x14d: {  	p0 =	sne.s32 s0, $0x0;
	_ =	strace $0x9000004A  }
0x14e: {  	s0 =	sadd.s32 @!p0 $0x100000, s1;
	[bflag:$0x2] =	sbarrier.arrive $0xFFFF  }
0x14f: {  	[sflag:s0] =	ssyncadd.tile.s32 @!p0 $0x1;
	_ =	shalt  }
.Lfunc_end2:
_tile_overlayer_lowered:
.L_overlay_start_2:
0x150: {  	(tag) =	ssettag $0x2  }
0x151: {  	s0 =	rddreg [dreg:$0x0];
	s2 =	stileid.u32  }
0x152: {  	s1 =	rddreg [dreg:$0x1];
	p0 =	sne.s32 s2, $0x0  }
0x153: {  	s3 =	rddreg [dreg:$0x2];
	[bflag:$0x3] =	sbarrier.arrive $0xFFFF;
	s2 =	simm.s32 @!p0 $0x1C03  }
0x154: {  	[timem:s3], [sflag:s2] =	dma.local @!p0 [hbm:s0], s1  }
0x155: {  	s0 =	simm.s32 @!p0 $0x3  }
0x156: {  	_ =	swait.ge @!p0 [sflag:s0], s1  }
0x157: {  	s1 =	ssub.s32 @!p0 $0x0, s1;
	[sflag:s0] =	ssyncset.done @!p0 $0x0  }
0x158: {  	[sflag:s0] =	ssyncadd.s32 @!p0 s1  }
0x159: {  	[bflag:$0x3] =	sbarrier.arrive $0xFFFF  }
0x15a: {  	_ =	shalt  }

</sc_bundles>
